<compile_context>
chip_gen: v7x
topology: tpu7x:2x2x1
jax: 0.10.2.dev20260603
libtpu: 0.0.44.dev20260713+nightly
codegen_flags: <defaults>
</compile_context>

<pallas_src>
import functools

import jax
import jax.numpy as jnp
from jax import lax
from jax.experimental import pallas as pl
from jax.experimental.pallas import tpu as pltpu
from jax.experimental.pallas import tpu_sc as plsc

N = 10000
E = 320000
F = 128
R = 64

NC = 2
NS = 16
NW = NC * NS
K = 128

N_PAD = 10240
ROWS_PER_TILE = N_PAD // NS
N_CHUNK = 80
EPT = N_CHUNK * K
E_PAD = EPT * NW
RING = 2
STAGE = N_CHUNK // 2

QSHIFT = 12
CBIT = 24

BLK = 1024


def _featurize_kernel(x_ref, w_ref, t_ref):
    feat = jnp.dot(x_ref[...], w_ref[...], preferred_element_type=jnp.float32)
    q = jnp.round(
        jnp.maximum(jnp.log(jnp.abs(feat) + 1e-12), -16.0)
        * (2.0 ** QSHIFT)).astype(jnp.int32)
    neg = (feat < 0).astype(jnp.int32)
    t = (neg << CBIT) + q
    t_ref[0] = t
    t_ref[1] = t


def _combine_kernel(p_ref, v_ref, o_ref):
    s = p_ref[0] + p_ref[1]
    cnt = (s + (1 << (CBIT - 1))) >> CBIT
    qs = s - (cnt << CBIT)
    logabs = qs.astype(jnp.float32) * (2.0 ** -QSHIFT)
    sign = (1 - 2 * (cnt & 1)).astype(jnp.float32)
    neigh = sign * jnp.exp(logabs)
    o_ref[...] = lax.dot_general(
        neigh, v_ref[...], (((1,), (1,)), ((), ())),
        preferred_element_type=jnp.float32)


def _make_sc_scatter():
    mesh = plsc.VectorSubcoreMesh(core_axis_name="c", subcore_axis_name="s")

    @functools.partial(
        pl.kernel,
        mesh=mesh,
        out_type=jax.ShapeDtypeStruct((NC * N_PAD, R), jnp.int32),
        scratch_types=[
            pltpu.VMEM((STAGE, K), jnp.int32),
            pltpu.VMEM((STAGE, K), jnp.int32),
            pltpu.VMEM((RING, K, R), jnp.int32),
            pltpu.VMEM_SHARED((N_PAD, R), jnp.int32),
        ] + [pltpu.SemaphoreType.DMA] * RING,
        compiler_params=pltpu.CompilerParams(use_tc_tiling_on_sc=False),
    )
    def sc_scatter(tab_hbm, src_hbm, dst_hbm, out_hbm,
                   src_v, dst_v, ring, acc, *sems):
        cid = lax.axis_index("c")
        sid = lax.axis_index("s")
        wid = cid * NS + sid
        rbase = sid * ROWS_PER_TILE

        z = ring.at[0]

        def zero_row(r, carry):
            for j in range(R // 16):
                z[r, pl.ds(j * 16, 16)] = jnp.zeros((16,), jnp.int32)
            return carry

        lax.fori_loop(0, K, zero_row, 0)
        for b in range(ROWS_PER_TILE // K):
            pltpu.sync_copy(z, acc.at[pl.ds(rbase + b * K, K)])
        plsc.subcore_barrier()

        for h in range(N_CHUNK // STAGE):
            cbase = wid * N_CHUNK + h * STAGE
            pltpu.sync_copy(src_hbm.at[pl.ds(cbase, STAGE)], src_v)
            pltpu.sync_copy(dst_hbm.at[pl.ds(cbase, STAGE)], dst_v)

            pltpu.async_copy(tab_hbm.at[src_v.at[0]], ring.at[0], sems[0])

            def group(g, carry):
                for j in range(RING):
                    i = g * RING + j
                    pltpu.make_async_copy(tab_hbm.at[pl.ds(0, K)], ring.at[j],
                                          sems[j]).wait()
                    scat = pltpu.make_async_copy(
                        ring.at[j], acc.at[dst_v.at[i]], sems[j])
                    scat.start(add=True)
                    nxt = i + 1
                    nb = (j + 1) % RING

                    @pl.when(nxt < STAGE)
                    def _():
                        pltpu.async_copy(tab_hbm.at[src_v.at[nxt]],
                                         ring.at[nb], sems[nb])

                    scat.wait()
                return carry

            lax.fori_loop(0, STAGE // RING, group, 0)
        plsc.subcore_barrier()

        obase = cid * N_PAD + rbase
        pltpu.sync_copy(acc.at[pl.ds(rbase, ROWS_PER_TILE)],
                        out_hbm.at[pl.ds(obase, ROWS_PER_TILE)])

    return sc_scatter


def kernel(x, edge_index, W, V):
    x_pad = jnp.concatenate(
        [x, jnp.zeros((N_PAD - N, F), jnp.float32)], axis=0)

    tab = pl.pallas_call(
        _featurize_kernel,
        grid=(N_PAD // BLK,),
        in_specs=[
            pl.BlockSpec((BLK, F), lambda i: (i, 0)),
            pl.BlockSpec((F, R), lambda i: (0, 0)),
        ],
        out_specs=pl.BlockSpec((2, BLK, R), lambda i: (0, i, 0)),
        out_shape=jax.ShapeDtypeStruct((2, N_PAD, R), jnp.int32),
    )(x_pad, W)
    tab = tab.reshape(2 * N_PAD, R)

    ei = edge_index.astype(jnp.int32)
    pad_src = jnp.full((E_PAD - E,), N, jnp.int32)
    pad_dst = N + jnp.arange(E_PAD - E, dtype=jnp.int32) % (N_PAD - N)
    src = jnp.concatenate([ei[0], pad_src])
    src = src + jnp.where(jnp.arange(E_PAD) >= E_PAD // 2, N_PAD, 0).astype(
        jnp.int32)
    src = src.reshape(NW * N_CHUNK, K)
    dst = jnp.concatenate([ei[1], pad_dst]).reshape(NW * N_CHUNK, K)

    partials = _make_sc_scatter()(tab, src, dst)
    partials = partials.reshape(NC, N_PAD, R)

    out_pad = pl.pallas_call(
        _combine_kernel,
        grid=(N_PAD // BLK,),
        in_specs=[
            pl.BlockSpec((NC, BLK, R), lambda i: (0, i, 0)),
            pl.BlockSpec((F, R), lambda i: (0, 0)),
        ],
        out_specs=pl.BlockSpec((BLK, F), lambda i: (i, 0)),
        out_shape=jax.ShapeDtypeStruct((N_PAD, F), jnp.float32),
    )(partials, V)

    return out_pad[:N]

# --- scband reference (transcript-rebuilt; emitter-appended) ---
"""Pipeline reference for scband-cplayer-34626026341131 (READ-ONLY COPY).

The authoritative reference and input builder live on the scoring server;
editing this copy changes nothing except your own understanding.
"""

import jax, jax.numpy as jnp
import numpy as np

N_NODES = 10000
N_EDGES = 320000
IN_FEA = 128
HIDDEN = 128
RANK = 64


def _xavier_uniform(key, shape):
    fan_in, fan_out = shape[0], shape[1]
    limit = float(np.sqrt(6.0 / (fan_in + fan_out)))
    return jax.random.uniform(key, shape, dtype=jnp.float32, minval=-limit, maxval=limit)


def setup_inputs(seed: int = 0) -> dict:
    key = jax.random.key(seed)
    k1, k2, k3, k4 = jax.random.split(key, 4)
    x = jax.random.normal(k1, (N_NODES, IN_FEA), dtype=jnp.float32)
    edge_index = jax.random.randint(k2, (2, N_EDGES), 0, N_NODES, dtype=jnp.int64)
    W = _xavier_uniform(k3, (IN_FEA, RANK))
    V = _xavier_uniform(k4, (HIDDEN, RANK))
    return {"x": x, "edge_index": edge_index, "W": W, "V": V}


def reference(x, edge_index, W, V):
    # feat_src = x @ W  (DGL: srcdata['h'])
    feat = jnp.dot(x, W)  # [N, rank]
    src = edge_index[0]
    dst = edge_index[1]
    # messages gathered from source nodes
    m = jnp.take(feat, src, axis=0)  # [E, rank]
    # product-aggregation over incoming messages per destination node.
    # Computed in log-space with sign tracking (mathematically equal to
    # torch.prod over the mailbox); nodes with no in-edges get 1.
    neg = (m < 0).astype(jnp.float32)
    neg_count = jax.ops.segment_sum(neg, dst, num_segments=N_NODES)
    sign = jax.lax.stop_gradient(1.0 - 2.0 * jnp.mod(neg_count, 2.0))
    logabs = jax.ops.segment_sum(jnp.log(jnp.abs(m) + 1e-12), dst, num_segments=N_NODES)
    neigh = sign * jnp.exp(logabs)  # [N, rank]
    out = jnp.dot(neigh, V.T)  # [N, hidden]
    return out

if __name__ == "__main__":
    import jax
    _d = setup_inputs()
    print(jax.jit(kernel)(*tuple(_d.values())))

</pallas_src>

<mosaic_0001>
#map = affine_map<(d0, d1) -> (0, 0)>
module attributes {stable_mosaic.version = 14 : i64} {
  func.func @sc_scatter(%arg0: i32, %arg1: i32, %arg2: memref<20480x64xi32, #tpu.memory_space<hbm>>, %arg3: memref<2560x128xi32, #tpu.memory_space<hbm>>, %arg4: memref<2560x128xi32, #tpu.memory_space<hbm>>, %arg5: memref<20480x64xi32, #tpu.memory_space<hbm>>, %arg6: memref<40x128xi32, #tpu.memory_space<vmem>>, %arg7: memref<40x128xi32, #tpu.memory_space<vmem>>, %arg8: memref<2x128x64xi32, #tpu.memory_space<vmem>>, %arg9: memref<10240x64xi32, #tpu.memory_space<vmem_shared>>, %arg10: memref<!tpu.dma_semaphore, #tpu.memory_space<semaphore_mem>>, %arg11: memref<!tpu.dma_semaphore, #tpu.memory_space<semaphore_mem>>) attributes {dimension_semantics = [#tpu.dimension_semantics<core_parallel>, #tpu.dimension_semantics<subcore_parallel>], iteration_bounds = array<i64: 2, 16>, scalar_prefetch = 0 : i64, scratch_operands = 6 : i64, tpu.core_type = #tpu.core_type<sc_vector_subcore>, window_params = [{transform_indices = #map}, {transform_indices = #map}, {transform_indices = #map}, {transform_indices = #map}]} {
    %mul3A = arith.constant 16 : i32
    %mul3A_0 = arith.muli %arg0, %mul3A : i32
    %add3A = arith.addi %mul3A_0, %arg1 : i32
    %mul3A_1 = arith.constant 640 : i32
    %mul3A_2 = arith.muli %arg1, %mul3A_1 : i32
    %scan3A = arith.constant 0 : i32
    %scan3A_3 = arith.constant 0 : i32
    %scan3A_4 = arith.constant 0 : i32
    %scan3A_5 = arith.constant 128 : i32
    %scan3A_6 = arith.addi %scan3A_4, %scan3A_5 : i32
    %scan3A_7 = arith.constant 1 : i32
    scf.for %scan3A_70 = %scan3A_4 to %scan3A_6 step %scan3A_7  : i32 {
      %broadcast_in_dim3A = arith.constant 0 : i32
      %broadcast_in_dim3A_71 = vector.broadcast %broadcast_in_dim3A : i32 to vector<16xi32>
      %swap3A = arith.constant 0 : i32
      %swap3A_72 = arith.constant 0 : i32
      %swap3A_73 = tpu.memref_slice %arg8[%scan3A_3, %swap3A, %swap3A_72] : memref<2x128x64xi32, #tpu.memory_space<vmem>> -> memref<1x128x64xi32, #tpu.memory_space<vmem>>
      %swap3A_74 = tpu.memref_squeeze %swap3A_73 : memref<1x128x64xi32, #tpu.memory_space<vmem>> -> memref<128x64xi32, #tpu.memory_space<vmem>>
      %swap3A_75 = arith.index_cast %scan3A_70 : i32 to index
      %swap3A_76 = arith.constant 0 : index
      %swap3A_77 = tpu.vector_load %swap3A_74[%swap3A_75, %swap3A_76] {strides = array<i32>} : memref<128x64xi32, #tpu.memory_space<vmem>>, vector<1x16xi32>,
      %swap3A_78 = vector.shape_cast %swap3A_77 : vector<1x16xi32> to vector<16xi32>
      %swap3A_79 = vector.shape_cast %broadcast_in_dim3A_71 : vector<16xi32> to vector<1x16xi32>
      tpu.vector_store %swap3A_74[%swap3A_75, %swap3A_76], %swap3A_79 {strides = array<i32>} : memref<128x64xi32, #tpu.memory_space<vmem>>, vector<1x16xi32>,
      %broadcast_in_dim3A_80 = arith.constant 0 : i32
      %broadcast_in_dim3A_81 = vector.broadcast %broadcast_in_dim3A_80 : i32 to vector<16xi32>
      %swap3A_82 = arith.constant 0 : i32
      %swap3A_83 = arith.constant 0 : i32
      %swap3A_84 = tpu.memref_slice %arg8[%scan3A_3, %swap3A_82, %swap3A_83] : memref<2x128x64xi32, #tpu.memory_space<vmem>> -> memref<1x128x64xi32, #tpu.memory_space<vmem>>
      %swap3A_85 = tpu.memref_squeeze %swap3A_84 : memref<1x128x64xi32, #tpu.memory_space<vmem>> -> memref<128x64xi32, #tpu.memory_space<vmem>>
      %swap3A_86 = arith.index_cast %scan3A_70 : i32 to index
      %swap3A_87 = arith.constant 16 : index
      %swap3A_88 = tpu.vector_load %swap3A_85[%swap3A_86, %swap3A_87] {strides = array<i32>} : memref<128x64xi32, #tpu.memory_space<vmem>>, vector<1x16xi32>,
      %swap3A_89 = vector.shape_cast %swap3A_88 : vector<1x16xi32> to vector<16xi32>
      %swap3A_90 = vector.shape_cast %broadcast_in_dim3A_81 : vector<16xi32> to vector<1x16xi32>
      tpu.vector_store %swap3A_85[%swap3A_86, %swap3A_87], %swap3A_90 {strides = array<i32>} : memref<128x64xi32, #tpu.memory_space<vmem>>, vector<1x16xi32>,
      %broadcast_in_dim3A_91 = arith.constant 0 : i32
      %broadcast_in_dim3A_92 = vector.broadcast %broadcast_in_dim3A_91 : i32 to vector<16xi32>
      %swap3A_93 = arith.constant 0 : i32
      %swap3A_94 = arith.constant 0 : i32
      %swap3A_95 = tpu.memref_slice %arg8[%scan3A_3, %swap3A_93, %swap3A_94] : memref<2x128x64xi32, #tpu.memory_space<vmem>> -> memref<1x128x64xi32, #tpu.memory_space<vmem>>
      %swap3A_96 = tpu.memref_squeeze %swap3A_95 : memref<1x128x64xi32, #tpu.memory_space<vmem>> -> memref<128x64xi32, #tpu.memory_space<vmem>>
      %swap3A_97 = arith.index_cast %scan3A_70 : i32 to index
      %swap3A_98 = arith.constant 32 : index
      %swap3A_99 = tpu.vector_load %swap3A_96[%swap3A_97, %swap3A_98] {strides = array<i32>} : memref<128x64xi32, #tpu.memory_space<vmem>>, vector<1x16xi32>,
      %swap3A_100 = vector.shape_cast %swap3A_99 : vector<1x16xi32> to vector<16xi32>
      %swap3A_101 = vector.shape_cast %broadcast_in_dim3A_92 : vector<16xi32> to vector<1x16xi32>
      tpu.vector_store %swap3A_96[%swap3A_97, %swap3A_98], %swap3A_101 {strides = array<i32>} : memref<128x64xi32, #tpu.memory_space<vmem>>, vector<1x16xi32>,
      %broadcast_in_dim3A_102 = arith.constant 0 : i32
      %broadcast_in_dim3A_103 = vector.broadcast %broadcast_in_dim3A_102 : i32 to vector<16xi32>
      %swap3A_104 = arith.constant 0 : i32
      %swap3A_105 = arith.constant 0 : i32
      %swap3A_106 = tpu.memref_slice %arg8[%scan3A_3, %swap3A_104, %swap3A_105] : memref<2x128x64xi32, #tpu.memory_space<vmem>> -> memref<1x128x64xi32, #tpu.memory_space<vmem>>
      %swap3A_107 = tpu.memref_squeeze %swap3A_106 : memref<1x128x64xi32, #tpu.memory_space<vmem>> -> memref<128x64xi32, #tpu.memory_space<vmem>>
      %swap3A_108 = arith.index_cast %scan3A_70 : i32 to index
      %swap3A_109 = arith.constant 48 : index
      %swap3A_110 = tpu.vector_load %swap3A_107[%swap3A_108, %swap3A_109] {strides = array<i32>} : memref<128x64xi32, #tpu.memory_space<vmem>>, vector<1x16xi32>,
      %swap3A_111 = vector.shape_cast %swap3A_110 : vector<1x16xi32> to vector<16xi32>
      %swap3A_112 = vector.shape_cast %broadcast_in_dim3A_103 : vector<16xi32> to vector<1x16xi32>
      tpu.vector_store %swap3A_107[%swap3A_108, %swap3A_109], %swap3A_112 {strides = array<i32>} : memref<128x64xi32, #tpu.memory_space<vmem>>, vector<1x16xi32>,
    }
    %scan3A_8 = arith.constant 128 : i32
    %add3A_9 = arith.constant 0 : i32
    %add3A_10 = arith.addi %mul3A_2, %add3A_9 : i32
    %run_scoped3A = arith.constant 0 : i32
    "tpu.region"() ({
      %run_scoped3A_70 = tpu.sem_alloc : memref<!tpu.dma_semaphore, #tpu.memory_space<semaphore_mem>>
      %dma_start3A_71 = arith.constant 0 : i32
      %dma_start3A_72 = arith.constant 0 : i32
      %dma_start3A_73 = tpu.memref_slice %arg8[%run_scoped3A, %dma_start3A_71, %dma_start3A_72] : memref<2x128x64xi32, #tpu.memory_space<vmem>> -> memref<1x128x64xi32, #tpu.memory_space<vmem>>
      %dma_start3A_74 = tpu.memref_squeeze %dma_start3A_73 : memref<1x128x64xi32, #tpu.memory_space<vmem>> -> memref<128x64xi32, #tpu.memory_space<vmem>>
      %dma_start3A_75 = arith.constant 0 : i32
      %dma_start3A_76 = tpu.memref_slice %arg9[%add3A_10, %dma_start3A_75] : memref<10240x64xi32, #tpu.memory_space<vmem_shared>> -> memref<128x64xi32, #tpu.memory_space<vmem_shared>>
      %dma_start3A_77 = arith.constant 0 : i32
      %dma_start3A_78 = tpu.memref_slice %arg9[%add3A_10, %dma_start3A_77] : memref<10240x64xi32, #tpu.memory_space<vmem_shared>> -> memref<128x64xi32, #tpu.memory_space<vmem_shared>>
      %dma_start3A_79 = arith.constant 0 : i32
      %dma_start3A_80 = arith.constant 0 : i32
      %dma_start3A_81 = tpu.memref_slice %arg8[%run_scoped3A, %dma_start3A_79, %dma_start3A_80] : memref<2x128x64xi32, #tpu.memory_space<vmem>> -> memref<1x128x64xi32, #tpu.memory_space<vmem>>
      %dma_start3A_82 = tpu.memref_squeeze %dma_start3A_81 : memref<1x128x64xi32, #tpu.memory_space<vmem>> -> memref<128x64xi32, #tpu.memory_space<vmem>>
      tpu.enqueue_dma source(%dma_start3A_82 : memref<128x64xi32, #tpu.memory_space<vmem>>) target(%dma_start3A_78 : memref<128x64xi32, #tpu.memory_space<vmem_shared>>) target_semaphore(%run_scoped3A_70 : memref<!tpu.dma_semaphore, #tpu.memory_space<semaphore_mem>>)
      %dma_wait3A = arith.constant 0 : i32
      %dma_wait3A_83 = arith.constant 0 : i32
      %dma_wait3A_84 = tpu.memref_slice %arg8[%run_scoped3A, %dma_wait3A, %dma_wait3A_83] : memref<2x128x64xi32, #tpu.memory_space<vmem>> -> memref<1x128x64xi32, #tpu.memory_space<vmem>>
      %dma_wait3A_85 = tpu.memref_squeeze %dma_wait3A_84 : memref<1x128x64xi32, #tpu.memory_space<vmem>> -> memref<128x64xi32, #tpu.memory_space<vmem>>
      %dma_wait3A_86 = arith.constant 0 : i32
      %dma_wait3A_87 = tpu.memref_slice %arg9[%add3A_10, %dma_wait3A_86] : memref<10240x64xi32, #tpu.memory_space<vmem_shared>> -> memref<128x64xi32, #tpu.memory_space<vmem_shared>>
      %dma_wait3A_88 = arith.constant 0 : i32
      %dma_wait3A_89 = tpu.memref_slice %arg9[%add3A_10, %dma_wait3A_88] : memref<10240x64xi32, #tpu.memory_space<vmem_shared>> -> memref<128x64xi32, #tpu.memory_space<vmem_shared>>
      %dma_wait3A_90 = arith.constant 0 : i32
      %dma_wait3A_91 = arith.constant 0 : i32
      %dma_wait3A_92 = tpu.memref_slice %arg8[%run_scoped3A, %dma_wait3A_90, %dma_wait3A_91] : memref<2x128x64xi32, #tpu.memory_space<vmem>> -> memref<1x128x64xi32, #tpu.memory_space<vmem>>
      %dma_wait3A_93 = tpu.memref_squeeze %dma_wait3A_92 : memref<1x128x64xi32, #tpu.memory_space<vmem>> -> memref<128x64xi32, #tpu.memory_space<vmem>>
      tpu.wait_dma2 semaphore(%run_scoped3A_70 : memref<!tpu.dma_semaphore, #tpu.memory_space<semaphore_mem>>) src(%dma_wait3A_93 : memref<128x64xi32, #tpu.memory_space<vmem>>) dst(%dma_wait3A_89 : memref<128x64xi32, #tpu.memory_space<vmem_shared>>)
      tpu.yield
    }) : () -> ()
    %add3A_11 = arith.constant 128 : i32
    %add3A_12 = arith.addi %mul3A_2, %add3A_11 : i32
    %run_scoped3A_13 = arith.constant 0 : i32
    "tpu.region"() ({
      %run_scoped3A_70 = tpu.sem_alloc : memref<!tpu.dma_semaphore, #tpu.memory_space<semaphore_mem>>
      %dma_start3A_71 = arith.constant 0 : i32
      %dma_start3A_72 = arith.constant 0 : i32
      %dma_start3A_73 = tpu.memref_slice %arg8[%run_scoped3A_13, %dma_start3A_71, %dma_start3A_72] : memref<2x128x64xi32, #tpu.memory_space<vmem>> -> memref<1x128x64xi32, #tpu.memory_space<vmem>>
      %dma_start3A_74 = tpu.memref_squeeze %dma_start3A_73 : memref<1x128x64xi32, #tpu.memory_space<vmem>> -> memref<128x64xi32, #tpu.memory_space<vmem>>
      %dma_start3A_75 = arith.constant 0 : i32
      %dma_start3A_76 = tpu.memref_slice %arg9[%add3A_12, %dma_start3A_75] : memref<10240x64xi32, #tpu.memory_space<vmem_shared>> -> memref<128x64xi32, #tpu.memory_space<vmem_shared>>
      %dma_start3A_77 = arith.constant 0 : i32
      %dma_start3A_78 = tpu.memref_slice %arg9[%add3A_12, %dma_start3A_77] : memref<10240x64xi32, #tpu.memory_space<vmem_shared>> -> memref<128x64xi32, #tpu.memory_space<vmem_shared>>
      %dma_start3A_79 = arith.constant 0 : i32
      %dma_start3A_80 = arith.constant 0 : i32
      %dma_start3A_81 = tpu.memref_slice %arg8[%run_scoped3A_13, %dma_start3A_79, %dma_start3A_80] : memref<2x128x64xi32, #tpu.memory_space<vmem>> -> memref<1x128x64xi32, #tpu.memory_space<vmem>>
      %dma_start3A_82 = tpu.memref_squeeze %dma_start3A_81 : memref<1x128x64xi32, #tpu.memory_space<vmem>> -> memref<128x64xi32, #tpu.memory_space<vmem>>
      tpu.enqueue_dma source(%dma_start3A_82 : memref<128x64xi32, #tpu.memory_space<vmem>>) target(%dma_start3A_78 : memref<128x64xi32, #tpu.memory_space<vmem_shared>>) target_semaphore(%run_scoped3A_70 : memref<!tpu.dma_semaphore, #tpu.memory_space<semaphore_mem>>)
      %dma_wait3A = arith.constant 0 : i32
      %dma_wait3A_83 = arith.constant 0 : i32
      %dma_wait3A_84 = tpu.memref_slice %arg8[%run_scoped3A_13, %dma_wait3A, %dma_wait3A_83] : memref<2x128x64xi32, #tpu.memory_space<vmem>> -> memref<1x128x64xi32, #tpu.memory_space<vmem>>
      %dma_wait3A_85 = tpu.memref_squeeze %dma_wait3A_84 : memref<1x128x64xi32, #tpu.memory_space<vmem>> -> memref<128x64xi32, #tpu.memory_space<vmem>>
      %dma_wait3A_86 = arith.constant 0 : i32
      %dma_wait3A_87 = tpu.memref_slice %arg9[%add3A_12, %dma_wait3A_86] : memref<10240x64xi32, #tpu.memory_space<vmem_shared>> -> memref<128x64xi32, #tpu.memory_space<vmem_shared>>
      %dma_wait3A_88 = arith.constant 0 : i32
      %dma_wait3A_89 = tpu.memref_slice %arg9[%add3A_12, %dma_wait3A_88] : memref<10240x64xi32, #tpu.memory_space<vmem_shared>> -> memref<128x64xi32, #tpu.memory_space<vmem_shared>>
      %dma_wait3A_90 = arith.constant 0 : i32
      %dma_wait3A_91 = arith.constant 0 : i32
      %dma_wait3A_92 = tpu.memref_slice %arg8[%run_scoped3A_13, %dma_wait3A_90, %dma_wait3A_91] : memref<2x128x64xi32, #tpu.memory_space<vmem>> -> memref<1x128x64xi32, #tpu.memory_space<vmem>>
      %dma_wait3A_93 = tpu.memref_squeeze %dma_wait3A_92 : memref<1x128x64xi32, #tpu.memory_space<vmem>> -> memref<128x64xi32, #tpu.memory_space<vmem>>
      tpu.wait_dma2 semaphore(%run_scoped3A_70 : memref<!tpu.dma_semaphore, #tpu.memory_space<semaphore_mem>>) src(%dma_wait3A_93 : memref<128x64xi32, #tpu.memory_space<vmem>>) dst(%dma_wait3A_89 : memref<128x64xi32, #tpu.memory_space<vmem_shared>>)
      tpu.yield
    }) : () -> ()
    %add3A_14 = arith.constant 256 : i32
    %add3A_15 = arith.addi %mul3A_2, %add3A_14 : i32
    %run_scoped3A_16 = arith.constant 0 : i32
    "tpu.region"() ({
      %run_scoped3A_70 = tpu.sem_alloc : memref<!tpu.dma_semaphore, #tpu.memory_space<semaphore_mem>>
      %dma_start3A_71 = arith.constant 0 : i32
      %dma_start3A_72 = arith.constant 0 : i32
      %dma_start3A_73 = tpu.memref_slice %arg8[%run_scoped3A_16, %dma_start3A_71, %dma_start3A_72] : memref<2x128x64xi32, #tpu.memory_space<vmem>> -> memref<1x128x64xi32, #tpu.memory_space<vmem>>
      %dma_start3A_74 = tpu.memref_squeeze %dma_start3A_73 : memref<1x128x64xi32, #tpu.memory_space<vmem>> -> memref<128x64xi32, #tpu.memory_space<vmem>>
      %dma_start3A_75 = arith.constant 0 : i32
      %dma_start3A_76 = tpu.memref_slice %arg9[%add3A_15, %dma_start3A_75] : memref<10240x64xi32, #tpu.memory_space<vmem_shared>> -> memref<128x64xi32, #tpu.memory_space<vmem_shared>>
      %dma_start3A_77 = arith.constant 0 : i32
      %dma_start3A_78 = tpu.memref_slice %arg9[%add3A_15, %dma_start3A_77] : memref<10240x64xi32, #tpu.memory_space<vmem_shared>> -> memref<128x64xi32, #tpu.memory_space<vmem_shared>>
      %dma_start3A_79 = arith.constant 0 : i32
      %dma_start3A_80 = arith.constant 0 : i32
      %dma_start3A_81 = tpu.memref_slice %arg8[%run_scoped3A_16, %dma_start3A_79, %dma_start3A_80] : memref<2x128x64xi32, #tpu.memory_space<vmem>> -> memref<1x128x64xi32, #tpu.memory_space<vmem>>
      %dma_start3A_82 = tpu.memref_squeeze %dma_start3A_81 : memref<1x128x64xi32, #tpu.memory_space<vmem>> -> memref<128x64xi32, #tpu.memory_space<vmem>>
      tpu.enqueue_dma source(%dma_start3A_82 : memref<128x64xi32, #tpu.memory_space<vmem>>) target(%dma_start3A_78 : memref<128x64xi32, #tpu.memory_space<vmem_shared>>) target_semaphore(%run_scoped3A_70 : memref<!tpu.dma_semaphore, #tpu.memory_space<semaphore_mem>>)
      %dma_wait3A = arith.constant 0 : i32
      %dma_wait3A_83 = arith.constant 0 : i32
      %dma_wait3A_84 = tpu.memref_slice %arg8[%run_scoped3A_16, %dma_wait3A, %dma_wait3A_83] : memref<2x128x64xi32, #tpu.memory_space<vmem>> -> memref<1x128x64xi32, #tpu.memory_space<vmem>>
      %dma_wait3A_85 = tpu.memref_squeeze %dma_wait3A_84 : memref<1x128x64xi32, #tpu.memory_space<vmem>> -> memref<128x64xi32, #tpu.memory_space<vmem>>
      %dma_wait3A_86 = arith.constant 0 : i32
      %dma_wait3A_87 = tpu.memref_slice %arg9[%add3A_15, %dma_wait3A_86] : memref<10240x64xi32, #tpu.memory_space<vmem_shared>> -> memref<128x64xi32, #tpu.memory_space<vmem_shared>>
      %dma_wait3A_88 = arith.constant 0 : i32
      %dma_wait3A_89 = tpu.memref_slice %arg9[%add3A_15, %dma_wait3A_88] : memref<10240x64xi32, #tpu.memory_space<vmem_shared>> -> memref<128x64xi32, #tpu.memory_space<vmem_shared>>
      %dma_wait3A_90 = arith.constant 0 : i32
      %dma_wait3A_91 = arith.constant 0 : i32
      %dma_wait3A_92 = tpu.memref_slice %arg8[%run_scoped3A_16, %dma_wait3A_90, %dma_wait3A_91] : memref<2x128x64xi32, #tpu.memory_space<vmem>> -> memref<1x128x64xi32, #tpu.memory_space<vmem>>
      %dma_wait3A_93 = tpu.memref_squeeze %dma_wait3A_92 : memref<1x128x64xi32, #tpu.memory_space<vmem>> -> memref<128x64xi32, #tpu.memory_space<vmem>>
      tpu.wait_dma2 semaphore(%run_scoped3A_70 : memref<!tpu.dma_semaphore, #tpu.memory_space<semaphore_mem>>) src(%dma_wait3A_93 : memref<128x64xi32, #tpu.memory_space<vmem>>) dst(%dma_wait3A_89 : memref<128x64xi32, #tpu.memory_space<vmem_shared>>)
      tpu.yield
    }) : () -> ()
    %add3A_17 = arith.constant 384 : i32
    %add3A_18 = arith.addi %mul3A_2, %add3A_17 : i32
    %run_scoped3A_19 = arith.constant 0 : i32
    "tpu.region"() ({
      %run_scoped3A_70 = tpu.sem_alloc : memref<!tpu.dma_semaphore, #tpu.memory_space<semaphore_mem>>
      %dma_start3A_71 = arith.constant 0 : i32
      %dma_start3A_72 = arith.constant 0 : i32
      %dma_start3A_73 = tpu.memref_slice %arg8[%run_scoped3A_19, %dma_start3A_71, %dma_start3A_72] : memref<2x128x64xi32, #tpu.memory_space<vmem>> -> memref<1x128x64xi32, #tpu.memory_space<vmem>>
      %dma_start3A_74 = tpu.memref_squeeze %dma_start3A_73 : memref<1x128x64xi32, #tpu.memory_space<vmem>> -> memref<128x64xi32, #tpu.memory_space<vmem>>
      %dma_start3A_75 = arith.constant 0 : i32
      %dma_start3A_76 = tpu.memref_slice %arg9[%add3A_18, %dma_start3A_75] : memref<10240x64xi32, #tpu.memory_space<vmem_shared>> -> memref<128x64xi32, #tpu.memory_space<vmem_shared>>
      %dma_start3A_77 = arith.constant 0 : i32
      %dma_start3A_78 = tpu.memref_slice %arg9[%add3A_18, %dma_start3A_77] : memref<10240x64xi32, #tpu.memory_space<vmem_shared>> -> memref<128x64xi32, #tpu.memory_space<vmem_shared>>
      %dma_start3A_79 = arith.constant 0 : i32
      %dma_start3A_80 = arith.constant 0 : i32
      %dma_start3A_81 = tpu.memref_slice %arg8[%run_scoped3A_19, %dma_start3A_79, %dma_start3A_80] : memref<2x128x64xi32, #tpu.memory_space<vmem>> -> memref<1x128x64xi32, #tpu.memory_space<vmem>>
      %dma_start3A_82 = tpu.memref_squeeze %dma_start3A_81 : memref<1x128x64xi32, #tpu.memory_space<vmem>> -> memref<128x64xi32, #tpu.memory_space<vmem>>
      tpu.enqueue_dma source(%dma_start3A_82 : memref<128x64xi32, #tpu.memory_space<vmem>>) target(%dma_start3A_78 : memref<128x64xi32, #tpu.memory_space<vmem_shared>>) target_semaphore(%run_scoped3A_70 : memref<!tpu.dma_semaphore, #tpu.memory_space<semaphore_mem>>)
      %dma_wait3A = arith.constant 0 : i32
      %dma_wait3A_83 = arith.constant 0 : i32
      %dma_wait3A_84 = tpu.memref_slice %arg8[%run_scoped3A_19, %dma_wait3A, %dma_wait3A_83] : memref<2x128x64xi32, #tpu.memory_space<vmem>> -> memref<1x128x64xi32, #tpu.memory_space<vmem>>
      %dma_wait3A_85 = tpu.memref_squeeze %dma_wait3A_84 : memref<1x128x64xi32, #tpu.memory_space<vmem>> -> memref<128x64xi32, #tpu.memory_space<vmem>>
      %dma_wait3A_86 = arith.constant 0 : i32
      %dma_wait3A_87 = tpu.memref_slice %arg9[%add3A_18, %dma_wait3A_86] : memref<10240x64xi32, #tpu.memory_space<vmem_shared>> -> memref<128x64xi32, #tpu.memory_space<vmem_shared>>
      %dma_wait3A_88 = arith.constant 0 : i32
      %dma_wait3A_89 = tpu.memref_slice %arg9[%add3A_18, %dma_wait3A_88] : memref<10240x64xi32, #tpu.memory_space<vmem_shared>> -> memref<128x64xi32, #tpu.memory_space<vmem_shared>>
      %dma_wait3A_90 = arith.constant 0 : i32
      %dma_wait3A_91 = arith.constant 0 : i32
      %dma_wait3A_92 = tpu.memref_slice %arg8[%run_scoped3A_19, %dma_wait3A_90, %dma_wait3A_91] : memref<2x128x64xi32, #tpu.memory_space<vmem>> -> memref<1x128x64xi32, #tpu.memory_space<vmem>>
      %dma_wait3A_93 = tpu.memref_squeeze %dma_wait3A_92 : memref<1x128x64xi32, #tpu.memory_space<vmem>> -> memref<128x64xi32, #tpu.memory_space<vmem>>
      tpu.wait_dma2 semaphore(%run_scoped3A_70 : memref<!tpu.dma_semaphore, #tpu.memory_space<semaphore_mem>>) src(%dma_wait3A_93 : memref<128x64xi32, #tpu.memory_space<vmem>>) dst(%dma_wait3A_89 : memref<128x64xi32, #tpu.memory_space<vmem_shared>>)
      tpu.yield
    }) : () -> ()
    %add3A_20 = arith.constant 512 : i32
    %add3A_21 = arith.addi %mul3A_2, %add3A_20 : i32
    %run_scoped3A_22 = arith.constant 0 : i32
    "tpu.region"() ({
      %run_scoped3A_70 = tpu.sem_alloc : memref<!tpu.dma_semaphore, #tpu.memory_space<semaphore_mem>>
      %dma_start3A_71 = arith.constant 0 : i32
      %dma_start3A_72 = arith.constant 0 : i32
      %dma_start3A_73 = tpu.memref_slice %arg8[%run_scoped3A_22, %dma_start3A_71, %dma_start3A_72] : memref<2x128x64xi32, #tpu.memory_space<vmem>> -> memref<1x128x64xi32, #tpu.memory_space<vmem>>
      %dma_start3A_74 = tpu.memref_squeeze %dma_start3A_73 : memref<1x128x64xi32, #tpu.memory_space<vmem>> -> memref<128x64xi32, #tpu.memory_space<vmem>>
      %dma_start3A_75 = arith.constant 0 : i32
      %dma_start3A_76 = tpu.memref_slice %arg9[%add3A_21, %dma_start3A_75] : memref<10240x64xi32, #tpu.memory_space<vmem_shared>> -> memref<128x64xi32, #tpu.memory_space<vmem_shared>>
      %dma_start3A_77 = arith.constant 0 : i32
      %dma_start3A_78 = tpu.memref_slice %arg9[%add3A_21, %dma_start3A_77] : memref<10240x64xi32, #tpu.memory_space<vmem_shared>> -> memref<128x64xi32, #tpu.memory_space<vmem_shared>>
      %dma_start3A_79 = arith.constant 0 : i32
      %dma_start3A_80 = arith.constant 0 : i32
      %dma_start3A_81 = tpu.memref_slice %arg8[%run_scoped3A_22, %dma_start3A_79, %dma_start3A_80] : memref<2x128x64xi32, #tpu.memory_space<vmem>> -> memref<1x128x64xi32, #tpu.memory_space<vmem>>
      %dma_start3A_82 = tpu.memref_squeeze %dma_start3A_81 : memref<1x128x64xi32, #tpu.memory_space<vmem>> -> memref<128x64xi32, #tpu.memory_space<vmem>>
      tpu.enqueue_dma source(%dma_start3A_82 : memref<128x64xi32, #tpu.memory_space<vmem>>) target(%dma_start3A_78 : memref<128x64xi32, #tpu.memory_space<vmem_shared>>) target_semaphore(%run_scoped3A_70 : memref<!tpu.dma_semaphore, #tpu.memory_space<semaphore_mem>>)
      %dma_wait3A = arith.constant 0 : i32
      %dma_wait3A_83 = arith.constant 0 : i32
      %dma_wait3A_84 = tpu.memref_slice %arg8[%run_scoped3A_22, %dma_wait3A, %dma_wait3A_83] : memref<2x128x64xi32, #tpu.memory_space<vmem>> -> memref<1x128x64xi32, #tpu.memory_space<vmem>>
      %dma_wait3A_85 = tpu.memref_squeeze %dma_wait3A_84 : memref<1x128x64xi32, #tpu.memory_space<vmem>> -> memref<128x64xi32, #tpu.memory_space<vmem>>
      %dma_wait3A_86 = arith.constant 0 : i32
      %dma_wait3A_87 = tpu.memref_slice %arg9[%add3A_21, %dma_wait3A_86] : memref<10240x64xi32, #tpu.memory_space<vmem_shared>> -> memref<128x64xi32, #tpu.memory_space<vmem_shared>>
      %dma_wait3A_88 = arith.constant 0 : i32
      %dma_wait3A_89 = tpu.memref_slice %arg9[%add3A_21, %dma_wait3A_88] : memref<10240x64xi32, #tpu.memory_space<vmem_shared>> -> memref<128x64xi32, #tpu.memory_space<vmem_shared>>
      %dma_wait3A_90 = arith.constant 0 : i32
      %dma_wait3A_91 = arith.constant 0 : i32
      %dma_wait3A_92 = tpu.memref_slice %arg8[%run_scoped3A_22, %dma_wait3A_90, %dma_wait3A_91] : memref<2x128x64xi32, #tpu.memory_space<vmem>> -> memref<1x128x64xi32, #tpu.memory_space<vmem>>
      %dma_wait3A_93 = tpu.memref_squeeze %dma_wait3A_92 : memref<1x128x64xi32, #tpu.memory_space<vmem>> -> memref<128x64xi32, #tpu.memory_space<vmem>>
      tpu.wait_dma2 semaphore(%run_scoped3A_70 : memref<!tpu.dma_semaphore, #tpu.memory_space<semaphore_mem>>) src(%dma_wait3A_93 : memref<128x64xi32, #tpu.memory_space<vmem>>) dst(%dma_wait3A_89 : memref<128x64xi32, #tpu.memory_space<vmem_shared>>)
      tpu.yield
    }) : () -> ()
    %barrier3A = arith.constant 0 : index
    tpu.barrier barrier_id(%barrier3A)
    %mul3A_23 = arith.constant 80 : i32
    %mul3A_24 = arith.muli %add3A, %mul3A_23 : i32
    %add3A_25 = arith.constant 0 : i32
    %add3A_26 = arith.addi %mul3A_24, %add3A_25 : i32
    "tpu.region"() ({
      %run_scoped3A_70 = tpu.sem_alloc : memref<!tpu.dma_semaphore, #tpu.memory_space<semaphore_mem>>
      %dma_start3A_71 = arith.constant 0 : i32
      %dma_start3A_72 = tpu.memref_slice %arg3[%add3A_26, %dma_start3A_71] : memref<2560x128xi32, #tpu.memory_space<hbm>> -> memref<40x128xi32, #tpu.memory_space<hbm>>
      %dma_start3A_73 = arith.constant 0 : i32
      %dma_start3A_74 = tpu.memref_slice %arg3[%add3A_26, %dma_start3A_73] : memref<2560x128xi32, #tpu.memory_space<hbm>> -> memref<40x128xi32, #tpu.memory_space<hbm>>
      tpu.enqueue_dma source(%dma_start3A_74 : memref<40x128xi32, #tpu.memory_space<hbm>>) target(%arg6 : memref<40x128xi32, #tpu.memory_space<vmem>>) target_semaphore(%run_scoped3A_70 : memref<!tpu.dma_semaphore, #tpu.memory_space<semaphore_mem>>)
      %dma_wait3A = arith.constant 0 : i32
      %dma_wait3A_75 = tpu.memref_slice %arg3[%add3A_26, %dma_wait3A] : memref<2560x128xi32, #tpu.memory_space<hbm>> -> memref<40x128xi32, #tpu.memory_space<hbm>>
      %dma_wait3A_76 = arith.constant 0 : i32
      %dma_wait3A_77 = tpu.memref_slice %arg3[%add3A_26, %dma_wait3A_76] : memref<2560x128xi32, #tpu.memory_space<hbm>> -> memref<40x128xi32, #tpu.memory_space<hbm>>
      tpu.wait_dma2 semaphore(%run_scoped3A_70 : memref<!tpu.dma_semaphore, #tpu.memory_space<semaphore_mem>>) src(%dma_wait3A_77 : memref<40x128xi32, #tpu.memory_space<hbm>>) dst(%arg6 : memref<40x128xi32, #tpu.memory_space<vmem>>)
      tpu.yield
    }) : () -> ()
    "tpu.region"() ({
      %run_scoped3A_70 = tpu.sem_alloc : memref<!tpu.dma_semaphore, #tpu.memory_space<semaphore_mem>>
      %dma_start3A_71 = arith.constant 0 : i32
      %dma_start3A_72 = tpu.memref_slice %arg4[%add3A_26, %dma_start3A_71] : memref<2560x128xi32, #tpu.memory_space<hbm>> -> memref<40x128xi32, #tpu.memory_space<hbm>>
      %dma_start3A_73 = arith.constant 0 : i32
      %dma_start3A_74 = tpu.memref_slice %arg4[%add3A_26, %dma_start3A_73] : memref<2560x128xi32, #tpu.memory_space<hbm>> -> memref<40x128xi32, #tpu.memory_space<hbm>>
      tpu.enqueue_dma source(%dma_start3A_74 : memref<40x128xi32, #tpu.memory_space<hbm>>) target(%arg7 : memref<40x128xi32, #tpu.memory_space<vmem>>) target_semaphore(%run_scoped3A_70 : memref<!tpu.dma_semaphore, #tpu.memory_space<semaphore_mem>>)
      %dma_wait3A = arith.constant 0 : i32
      %dma_wait3A_75 = tpu.memref_slice %arg4[%add3A_26, %dma_wait3A] : memref<2560x128xi32, #tpu.memory_space<hbm>> -> memref<40x128xi32, #tpu.memory_space<hbm>>
      %dma_wait3A_76 = arith.constant 0 : i32
      %dma_wait3A_77 = tpu.memref_slice %arg4[%add3A_26, %dma_wait3A_76] : memref<2560x128xi32, #tpu.memory_space<hbm>> -> memref<40x128xi32, #tpu.memory_space<hbm>>
      tpu.wait_dma2 semaphore(%run_scoped3A_70 : memref<!tpu.dma_semaphore, #tpu.memory_space<semaphore_mem>>) src(%dma_wait3A_77 : memref<40x128xi32, #tpu.memory_space<hbm>>) dst(%arg7 : memref<40x128xi32, #tpu.memory_space<vmem>>)
      tpu.yield
    }) : () -> ()
    %dma_start3A = arith.constant 0 : i32
    %dma_start3A_27 = arith.constant 0 : i32
    %dma_start3A_28 = arith.constant 0 : i32
    %dma_start3A_29 = arith.constant 0 : i32
    %dma_start3A_30 = tpu.memref_slice %arg8[%dma_start3A_27, %dma_start3A_28, %dma_start3A_29] : memref<2x128x64xi32, #tpu.memory_space<vmem>> -> memref<1x128x64xi32, #tpu.memory_space<vmem>>
    %dma_start3A_31 = tpu.memref_squeeze %dma_start3A_30 : memref<1x128x64xi32, #tpu.memory_space<vmem>> -> memref<128x64xi32, #tpu.memory_space<vmem>>
    %dma_start3A_32 = arith.constant 0 : i32
    %dma_start3A_33 = tpu.memref_slice %arg6[%dma_start3A, %dma_start3A_32] : memref<40x128xi32, #tpu.memory_space<vmem>> -> memref<1x128xi32, #tpu.memory_space<vmem>>
    %dma_start3A_34 = tpu.memref_squeeze %dma_start3A_33 : memref<1x128xi32, #tpu.memory_space<vmem>> -> memref<128xi32, #tpu.memory_space<vmem>>
    %dma_start3A_35 = arith.constant 0 : i32
    %dma_start3A_36 = arith.constant 0 : i32
    %dma_start3A_37 = tpu.memref_slice %arg2[%dma_start3A_35, %dma_start3A_36] : memref<20480x64xi32, #tpu.memory_space<hbm>> -> memref<20480x64xi32, #tpu.memory_space<hbm>>
    tpu.enqueue_indirect_dma source(%dma_start3A_37 : memref<20480x64xi32, #tpu.memory_space<hbm>>) target(%dma_start3A_31 : memref<128x64xi32, #tpu.memory_space<vmem>>) offsets(%dma_start3A_34 : memref<128xi32, #tpu.memory_space<vmem>>) semaphore(%arg10 : memref<!tpu.dma_semaphore, #tpu.memory_space<semaphore_mem>>)
    %scan3A_38 = arith.constant 0 : i32
    %scan3A_39 = arith.constant 0 : i32
    %scan3A_40 = arith.constant 20 : i32
    %scan3A_41 = arith.addi %scan3A_39, %scan3A_40 : i32
    %scan3A_42 = arith.constant 1 : i32
    scf.for %scan3A_70 = %scan3A_39 to %scan3A_41 step %scan3A_42  : i32 {
      %mul3A_71 = arith.constant 2 : i32
      %mul3A_72 = arith.muli %scan3A_70, %mul3A_71 : i32
      %add3A_73 = arith.constant 0 : i32
      %add3A_74 = arith.addi %mul3A_72, %add3A_73 : i32
      %dma_wait3A = arith.constant 0 : i32
      %dma_wait3A_75 = arith.constant 0 : i32
      %dma_wait3A_76 = arith.constant 0 : i32
      %dma_wait3A_77 = tpu.memref_slice %arg8[%dma_wait3A, %dma_wait3A_75, %dma_wait3A_76] : memref<2x128x64xi32, #tpu.memory_space<vmem>> -> memref<1x128x64xi32, #tpu.memory_space<vmem>>
      %dma_wait3A_78 = tpu.memref_squeeze %dma_wait3A_77 : memref<1x128x64xi32, #tpu.memory_space<vmem>> -> memref<128x64xi32, #tpu.memory_space<vmem>>
      %dma_wait3A_79 = arith.constant 0 : i32
      %dma_wait3A_80 = arith.constant 0 : i32
      %dma_wait3A_81 = tpu.memref_slice %arg2[%dma_wait3A_79, %dma_wait3A_80] : memref<20480x64xi32, #tpu.memory_space<hbm>> -> memref<128x64xi32, #tpu.memory_space<hbm>>
      %dma_wait3A_82 = arith.constant 0 : i32
      %dma_wait3A_83 = arith.constant 0 : i32
      %dma_wait3A_84 = tpu.memref_slice %arg8[%dma_wait3A, %dma_wait3A_82, %dma_wait3A_83] : memref<2x128x64xi32, #tpu.memory_space<vmem>> -> memref<1x128x64xi32, #tpu.memory_space<vmem>>
      %dma_wait3A_85 = tpu.memref_squeeze %dma_wait3A_84 : memref<1x128x64xi32, #tpu.memory_space<vmem>> -> memref<128x64xi32, #tpu.memory_space<vmem>>
      %dma_wait3A_86 = arith.constant 0 : i32
      %dma_wait3A_87 = arith.constant 0 : i32
      %dma_wait3A_88 = tpu.memref_slice %arg2[%dma_wait3A_86, %dma_wait3A_87] : memref<20480x64xi32, #tpu.memory_space<hbm>> -> memref<128x64xi32, #tpu.memory_space<hbm>>
      tpu.wait_dma2 semaphore(%arg10 : memref<!tpu.dma_semaphore, #tpu.memory_space<semaphore_mem>>) src(%dma_wait3A_88 : memref<128x64xi32, #tpu.memory_space<hbm>>) dst(%dma_wait3A_85 : memref<128x64xi32, #tpu.memory_space<vmem>>)
      %dma_start3A_89 = arith.constant 0 : i32
      %dma_start3A_90 = arith.constant 0 : i32
      %dma_start3A_91 = arith.constant 0 : i32
      %dma_start3A_92 = tpu.memref_slice %arg8[%dma_start3A_89, %dma_start3A_90, %dma_start3A_91] : memref<2x128x64xi32, #tpu.memory_space<vmem>> -> memref<1x128x64xi32, #tpu.memory_space<vmem>>
      %dma_start3A_93 = tpu.memref_squeeze %dma_start3A_92 : memref<1x128x64xi32, #tpu.memory_space<vmem>> -> memref<128x64xi32, #tpu.memory_space<vmem>>
      %dma_start3A_94 = arith.constant 0 : i32
      %dma_start3A_95 = tpu.memref_slice %arg7[%add3A_74, %dma_start3A_94] : memref<40x128xi32, #tpu.memory_space<vmem>> -> memref<1x128xi32, #tpu.memory_space<vmem>>
      %dma_start3A_96 = tpu.memref_squeeze %dma_start3A_95 : memref<1x128xi32, #tpu.memory_space<vmem>> -> memref<128xi32, #tpu.memory_space<vmem>>
      %dma_start3A_97 = arith.constant 0 : i32
      %dma_start3A_98 = arith.constant 0 : i32
      %dma_start3A_99 = tpu.memref_slice %arg9[%dma_start3A_97, %dma_start3A_98] : memref<10240x64xi32, #tpu.memory_space<vmem_shared>> -> memref<10240x64xi32, #tpu.memory_space<vmem_shared>>
      tpu.enqueue_indirect_dma source(%dma_start3A_93 : memref<128x64xi32, #tpu.memory_space<vmem>>) target(%dma_start3A_99 : memref<10240x64xi32, #tpu.memory_space<vmem_shared>>) offsets(%dma_start3A_96 : memref<128xi32, #tpu.memory_space<vmem>>) semaphore(%arg10 : memref<!tpu.dma_semaphore, #tpu.memory_space<semaphore_mem>>) {add = true}
      %add3A_100 = arith.constant 1 : i32
      %add3A_101 = arith.addi %add3A_74, %add3A_100 : i32
      %lt3A = arith.constant 40 : i32
      %lt3A_102 = arith.cmpi slt, %add3A_101, %lt3A : i32
      %convert_element_type3A = arith.extui %lt3A_102 : i1 to i32
      %cond3A = arith.constant 0 : i32
      %cond3A_103 = arith.cmpi ne, %convert_element_type3A, %cond3A : i32
      scf.if %cond3A_103 {
        %dma_start3A_163 = arith.constant 1 : i32
        %dma_start3A_164 = arith.constant 0 : i32
        %dma_start3A_165 = arith.constant 0 : i32
        %dma_start3A_166 = tpu.memref_slice %arg8[%dma_start3A_163, %dma_start3A_164, %dma_start3A_165] : memref<2x128x64xi32, #tpu.memory_space<vmem>> -> memref<1x128x64xi32, #tpu.memory_space<vmem>>
        %dma_start3A_167 = tpu.memref_squeeze %dma_start3A_166 : memref<1x128x64xi32, #tpu.memory_space<vmem>> -> memref<128x64xi32, #tpu.memory_space<vmem>>
        %dma_start3A_168 = arith.constant 0 : i32
        %dma_start3A_169 = tpu.memref_slice %arg6[%add3A_101, %dma_start3A_168] : memref<40x128xi32, #tpu.memory_space<vmem>> -> memref<1x128xi32, #tpu.memory_space<vmem>>
        %dma_start3A_170 = tpu.memref_squeeze %dma_start3A_169 : memref<1x128xi32, #tpu.memory_space<vmem>> -> memref<128xi32, #tpu.memory_space<vmem>>
        %dma_start3A_171 = arith.constant 0 : i32
        %dma_start3A_172 = arith.constant 0 : i32
        %dma_start3A_173 = tpu.memref_slice %arg2[%dma_start3A_171, %dma_start3A_172] : memref<20480x64xi32, #tpu.memory_space<hbm>> -> memref<20480x64xi32, #tpu.memory_space<hbm>>
        tpu.enqueue_indirect_dma source(%dma_start3A_173 : memref<20480x64xi32, #tpu.memory_space<hbm>>) target(%dma_start3A_167 : memref<128x64xi32, #tpu.memory_space<vmem>>) offsets(%dma_start3A_170 : memref<128xi32, #tpu.memory_space<vmem>>) semaphore(%arg11 : memref<!tpu.dma_semaphore, #tpu.memory_space<semaphore_mem>>)
      } else {
      }
      %dma_wait3A_104 = arith.constant 0 : i32
      %dma_wait3A_105 = arith.constant 0 : i32
      %dma_wait3A_106 = arith.constant 0 : i32
      %dma_wait3A_107 = tpu.memref_slice %arg8[%dma_wait3A_104, %dma_wait3A_105, %dma_wait3A_106] : memref<2x128x64xi32, #tpu.memory_space<vmem>> -> memref<1x128x64xi32, #tpu.memory_space<vmem>>
      %dma_wait3A_108 = tpu.memref_squeeze %dma_wait3A_107 : memref<1x128x64xi32, #tpu.memory_space<vmem>> -> memref<128x64xi32, #tpu.memory_space<vmem>>
      %dma_wait3A_109 = arith.constant 0 : i32
      %dma_wait3A_110 = tpu.memref_slice %arg7[%add3A_74, %dma_wait3A_109] : memref<40x128xi32, #tpu.memory_space<vmem>> -> memref<1x128xi32, #tpu.memory_space<vmem>>
      %dma_wait3A_111 = tpu.memref_squeeze %dma_wait3A_110 : memref<1x128xi32, #tpu.memory_space<vmem>> -> memref<128xi32, #tpu.memory_space<vmem>>
      %dma_wait3A_112 = arith.constant 0 : i32
      %dma_wait3A_113 = arith.constant 0 : i32
      %dma_wait3A_114 = tpu.memref_slice %arg9[%dma_wait3A_112, %dma_wait3A_113] : memref<10240x64xi32, #tpu.memory_space<vmem_shared>> -> memref<10240x64xi32, #tpu.memory_space<vmem_shared>>
      tpu.wait_indirect_dma semaphore(%arg10 : memref<!tpu.dma_semaphore, #tpu.memory_space<semaphore_mem>>) src(%dma_wait3A_108 : memref<128x64xi32, #tpu.memory_space<vmem>>) dst(%dma_wait3A_114 : memref<10240x64xi32, #tpu.memory_space<vmem_shared>>)
      %mul3A_115 = arith.constant 2 : i32
      %mul3A_116 = arith.muli %scan3A_70, %mul3A_115 : i32
      %add3A_117 = arith.constant 1 : i32
      %add3A_118 = arith.addi %mul3A_116, %add3A_117 : i32
      %dma_wait3A_119 = arith.constant 1 : i32
      %dma_wait3A_120 = arith.constant 0 : i32
      %dma_wait3A_121 = arith.constant 0 : i32
      %dma_wait3A_122 = tpu.memref_slice %arg8[%dma_wait3A_119, %dma_wait3A_120, %dma_wait3A_121] : memref<2x128x64xi32, #tpu.memory_space<vmem>> -> memref<1x128x64xi32, #tpu.memory_space<vmem>>
      %dma_wait3A_123 = tpu.memref_squeeze %dma_wait3A_122 : memref<1x128x64xi32, #tpu.memory_space<vmem>> -> memref<128x64xi32, #tpu.memory_space<vmem>>
      %dma_wait3A_124 = arith.constant 0 : i32
      %dma_wait3A_125 = arith.constant 0 : i32
      %dma_wait3A_126 = tpu.memref_slice %arg2[%dma_wait3A_124, %dma_wait3A_125] : memref<20480x64xi32, #tpu.memory_space<hbm>> -> memref<128x64xi32, #tpu.memory_space<hbm>>
      %dma_wait3A_127 = arith.constant 0 : i32
      %dma_wait3A_128 = arith.constant 0 : i32
      %dma_wait3A_129 = tpu.memref_slice %arg8[%dma_wait3A_119, %dma_wait3A_127, %dma_wait3A_128] : memref<2x128x64xi32, #tpu.memory_space<vmem>> -> memref<1x128x64xi32, #tpu.memory_space<vmem>>
      %dma_wait3A_130 = tpu.memref_squeeze %dma_wait3A_129 : memref<1x128x64xi32, #tpu.memory_space<vmem>> -> memref<128x64xi32, #tpu.memory_space<vmem>>
      %dma_wait3A_131 = arith.constant 0 : i32
      %dma_wait3A_132 = arith.constant 0 : i32
      %dma_wait3A_133 = tpu.memref_slice %arg2[%dma_wait3A_131, %dma_wait3A_132] : memref<20480x64xi32, #tpu.memory_space<hbm>> -> memref<128x64xi32, #tpu.memory_space<hbm>>
      tpu.wait_dma2 semaphore(%arg11 : memref<!tpu.dma_semaphore, #tpu.memory_space<semaphore_mem>>) src(%dma_wait3A_133 : memref<128x64xi32, #tpu.memory_space<hbm>>) dst(%dma_wait3A_130 : memref<128x64xi32, #tpu.memory_space<vmem>>)
      %dma_start3A_134 = arith.constant 1 : i32
      %dma_start3A_135 = arith.constant 0 : i32
      %dma_start3A_136 = arith.constant 0 : i32
      %dma_start3A_137 = tpu.memref_slice %arg8[%dma_start3A_134, %dma_start3A_135, %dma_start3A_136] : memref<2x128x64xi32, #tpu.memory_space<vmem>> -> memref<1x128x64xi32, #tpu.memory_space<vmem>>
      %dma_start3A_138 = tpu.memref_squeeze %dma_start3A_137 : memref<1x128x64xi32, #tpu.memory_space<vmem>> -> memref<128x64xi32, #tpu.memory_space<vmem>>
      %dma_start3A_139 = arith.constant 0 : i32
      %dma_start3A_140 = tpu.memref_slice %arg7[%add3A_118, %dma_start3A_139] : memref<40x128xi32, #tpu.memory_space<vmem>> -> memref<1x128xi32, #tpu.memory_space<vmem>>
      %dma_start3A_141 = tpu.memref_squeeze %dma_start3A_140 : memref<1x128xi32, #tpu.memory_space<vmem>> -> memref<128xi32, #tpu.memory_space<vmem>>
      %dma_start3A_142 = arith.constant 0 : i32
      %dma_start3A_143 = arith.constant 0 : i32
      %dma_start3A_144 = tpu.memref_slice %arg9[%dma_start3A_142, %dma_start3A_143] : memref<10240x64xi32, #tpu.memory_space<vmem_shared>> -> memref<10240x64xi32, #tpu.memory_space<vmem_shared>>
      tpu.enqueue_indirect_dma source(%dma_start3A_138 : memref<128x64xi32, #tpu.memory_space<vmem>>) target(%dma_start3A_144 : memref<10240x64xi32, #tpu.memory_space<vmem_shared>>) offsets(%dma_start3A_141 : memref<128xi32, #tpu.memory_space<vmem>>) semaphore(%arg11 : memref<!tpu.dma_semaphore, #tpu.memory_space<semaphore_mem>>) {add = true}
      %add3A_145 = arith.constant 1 : i32
      %add3A_146 = arith.addi %add3A_118, %add3A_145 : i32
      %lt3A_147 = arith.constant 40 : i32
      %lt3A_148 = arith.cmpi slt, %add3A_146, %lt3A_147 : i32
      %convert_element_type3A_149 = arith.extui %lt3A_148 : i1 to i32
      %cond3A_150 = arith.constant 0 : i32
      %cond3A_151 = arith.cmpi ne, %convert_element_type3A_149, %cond3A_150 : i32
      scf.if %cond3A_151 {
        %dma_start3A_163 = arith.constant 0 : i32
        %dma_start3A_164 = arith.constant 0 : i32
        %dma_start3A_165 = arith.constant 0 : i32
        %dma_start3A_166 = tpu.memref_slice %arg8[%dma_start3A_163, %dma_start3A_164, %dma_start3A_165] : memref<2x128x64xi32, #tpu.memory_space<vmem>> -> memref<1x128x64xi32, #tpu.memory_space<vmem>>
        %dma_start3A_167 = tpu.memref_squeeze %dma_start3A_166 : memref<1x128x64xi32, #tpu.memory_space<vmem>> -> memref<128x64xi32, #tpu.memory_space<vmem>>
        %dma_start3A_168 = arith.constant 0 : i32
        %dma_start3A_169 = tpu.memref_slice %arg6[%add3A_146, %dma_start3A_168] : memref<40x128xi32, #tpu.memory_space<vmem>> -> memref<1x128xi32, #tpu.memory_space<vmem>>
        %dma_start3A_170 = tpu.memref_squeeze %dma_start3A_169 : memref<1x128xi32, #tpu.memory_space<vmem>> -> memref<128xi32, #tpu.memory_space<vmem>>
        %dma_start3A_171 = arith.constant 0 : i32
        %dma_start3A_172 = arith.constant 0 : i32
        %dma_start3A_173 = tpu.memref_slice %arg2[%dma_start3A_171, %dma_start3A_172] : memref<20480x64xi32, #tpu.memory_space<hbm>> -> memref<20480x64xi32, #tpu.memory_space<hbm>>
        tpu.enqueue_indirect_dma source(%dma_start3A_173 : memref<20480x64xi32, #tpu.memory_space<hbm>>) target(%dma_start3A_167 : memref<128x64xi32, #tpu.memory_space<vmem>>) offsets(%dma_start3A_170 : memref<128xi32, #tpu.memory_space<vmem>>) semaphore(%arg10 : memref<!tpu.dma_semaphore, #tpu.memory_space<semaphore_mem>>)
      } else {
      }
      %dma_wait3A_152 = arith.constant 1 : i32
      %dma_wait3A_153 = arith.constant 0 : i32
      %dma_wait3A_154 = arith.constant 0 : i32
      %dma_wait3A_155 = tpu.memref_slice %arg8[%dma_wait3A_152, %dma_wait3A_153, %dma_wait3A_154] : memref<2x128x64xi32, #tpu.memory_space<vmem>> -> memref<1x128x64xi32, #tpu.memory_space<vmem>>
      %dma_wait3A_156 = tpu.memref_squeeze %dma_wait3A_155 : memref<1x128x64xi32, #tpu.memory_space<vmem>> -> memref<128x64xi32, #tpu.memory_space<vmem>>
      %dma_wait3A_157 = arith.constant 0 : i32
      %dma_wait3A_158 = tpu.memref_slice %arg7[%add3A_118, %dma_wait3A_157] : memref<40x128xi32, #tpu.memory_space<vmem>> -> memref<1x128xi32, #tpu.memory_space<vmem>>
      %dma_wait3A_159 = tpu.memref_squeeze %dma_wait3A_158 : memref<1x128xi32, #tpu.memory_space<vmem>> -> memref<128xi32, #tpu.memory_space<vmem>>
      %dma_wait3A_160 = arith.constant 0 : i32
      %dma_wait3A_161 = arith.constant 0 : i32
      %dma_wait3A_162 = tpu.memref_slice %arg9[%dma_wait3A_160, %dma_wait3A_161] : memref<10240x64xi32, #tpu.memory_space<vmem_shared>> -> memref<10240x64xi32, #tpu.memory_space<vmem_shared>>
      tpu.wait_indirect_dma semaphore(%arg11 : memref<!tpu.dma_semaphore, #tpu.memory_space<semaphore_mem>>) src(%dma_wait3A_156 : memref<128x64xi32, #tpu.memory_space<vmem>>) dst(%dma_wait3A_162 : memref<10240x64xi32, #tpu.memory_space<vmem_shared>>)
    }
    %scan3A_43 = arith.constant 20 : i32
    %mul3A_44 = arith.constant 80 : i32
    %mul3A_45 = arith.muli %add3A, %mul3A_44 : i32
    %add3A_46 = arith.constant 40 : i32
    %add3A_47 = arith.addi %mul3A_45, %add3A_46 : i32
    "tpu.region"() ({
      %run_scoped3A_70 = tpu.sem_alloc : memref<!tpu.dma_semaphore, #tpu.memory_space<semaphore_mem>>
      %dma_start3A_71 = arith.constant 0 : i32
      %dma_start3A_72 = tpu.memref_slice %arg3[%add3A_47, %dma_start3A_71] : memref<2560x128xi32, #tpu.memory_space<hbm>> -> memref<40x128xi32, #tpu.memory_space<hbm>>
      %dma_start3A_73 = arith.constant 0 : i32
      %dma_start3A_74 = tpu.memref_slice %arg3[%add3A_47, %dma_start3A_73] : memref<2560x128xi32, #tpu.memory_space<hbm>> -> memref<40x128xi32, #tpu.memory_space<hbm>>
      tpu.enqueue_dma source(%dma_start3A_74 : memref<40x128xi32, #tpu.memory_space<hbm>>) target(%arg6 : memref<40x128xi32, #tpu.memory_space<vmem>>) target_semaphore(%run_scoped3A_70 : memref<!tpu.dma_semaphore, #tpu.memory_space<semaphore_mem>>)
      %dma_wait3A = arith.constant 0 : i32
      %dma_wait3A_75 = tpu.memref_slice %arg3[%add3A_47, %dma_wait3A] : memref<2560x128xi32, #tpu.memory_space<hbm>> -> memref<40x128xi32, #tpu.memory_space<hbm>>
      %dma_wait3A_76 = arith.constant 0 : i32
      %dma_wait3A_77 = tpu.memref_slice %arg3[%add3A_47, %dma_wait3A_76] : memref<2560x128xi32, #tpu.memory_space<hbm>> -> memref<40x128xi32, #tpu.memory_space<hbm>>
      tpu.wait_dma2 semaphore(%run_scoped3A_70 : memref<!tpu.dma_semaphore, #tpu.memory_space<semaphore_mem>>) src(%dma_wait3A_77 : memref<40x128xi32, #tpu.memory_space<hbm>>) dst(%arg6 : memref<40x128xi32, #tpu.memory_space<vmem>>)
      tpu.yield
    }) : () -> ()
    "tpu.region"() ({
      %run_scoped3A_70 = tpu.sem_alloc : memref<!tpu.dma_semaphore, #tpu.memory_space<semaphore_mem>>
      %dma_start3A_71 = arith.constant 0 : i32
      %dma_start3A_72 = tpu.memref_slice %arg4[%add3A_47, %dma_start3A_71] : memref<2560x128xi32, #tpu.memory_space<hbm>> -> memref<40x128xi32, #tpu.memory_space<hbm>>
      %dma_start3A_73 = arith.constant 0 : i32
      %dma_start3A_74 = tpu.memref_slice %arg4[%add3A_47, %dma_start3A_73] : memref<2560x128xi32, #tpu.memory_space<hbm>> -> memref<40x128xi32, #tpu.memory_space<hbm>>
      tpu.enqueue_dma source(%dma_start3A_74 : memref<40x128xi32, #tpu.memory_space<hbm>>) target(%arg7 : memref<40x128xi32, #tpu.memory_space<vmem>>) target_semaphore(%run_scoped3A_70 : memref<!tpu.dma_semaphore, #tpu.memory_space<semaphore_mem>>)
      %dma_wait3A = arith.constant 0 : i32
      %dma_wait3A_75 = tpu.memref_slice %arg4[%add3A_47, %dma_wait3A] : memref<2560x128xi32, #tpu.memory_space<hbm>> -> memref<40x128xi32, #tpu.memory_space<hbm>>
      %dma_wait3A_76 = arith.constant 0 : i32
      %dma_wait3A_77 = tpu.memref_slice %arg4[%add3A_47, %dma_wait3A_76] : memref<2560x128xi32, #tpu.memory_space<hbm>> -> memref<40x128xi32, #tpu.memory_space<hbm>>
      tpu.wait_dma2 semaphore(%run_scoped3A_70 : memref<!tpu.dma_semaphore, #tpu.memory_space<semaphore_mem>>) src(%dma_wait3A_77 : memref<40x128xi32, #tpu.memory_space<hbm>>) dst(%arg7 : memref<40x128xi32, #tpu.memory_space<vmem>>)
      tpu.yield
    }) : () -> ()
    %dma_start3A_48 = arith.constant 0 : i32
    %dma_start3A_49 = arith.constant 0 : i32
    %dma_start3A_50 = arith.constant 0 : i32
    %dma_start3A_51 = arith.constant 0 : i32
    %dma_start3A_52 = tpu.memref_slice %arg8[%dma_start3A_49, %dma_start3A_50, %dma_start3A_51] : memref<2x128x64xi32, #tpu.memory_space<vmem>> -> memref<1x128x64xi32, #tpu.memory_space<vmem>>
    %dma_start3A_53 = tpu.memref_squeeze %dma_start3A_52 : memref<1x128x64xi32, #tpu.memory_space<vmem>> -> memref<128x64xi32, #tpu.memory_space<vmem>>
    %dma_start3A_54 = arith.constant 0 : i32
    %dma_start3A_55 = tpu.memref_slice %arg6[%dma_start3A_48, %dma_start3A_54] : memref<40x128xi32, #tpu.memory_space<vmem>> -> memref<1x128xi32, #tpu.memory_space<vmem>>
    %dma_start3A_56 = tpu.memref_squeeze %dma_start3A_55 : memref<1x128xi32, #tpu.memory_space<vmem>> -> memref<128xi32, #tpu.memory_space<vmem>>
    %dma_start3A_57 = arith.constant 0 : i32
    %dma_start3A_58 = arith.constant 0 : i32
    %dma_start3A_59 = tpu.memref_slice %arg2[%dma_start3A_57, %dma_start3A_58] : memref<20480x64xi32, #tpu.memory_space<hbm>> -> memref<20480x64xi32, #tpu.memory_space<hbm>>
    tpu.enqueue_indirect_dma source(%dma_start3A_59 : memref<20480x64xi32, #tpu.memory_space<hbm>>) target(%dma_start3A_53 : memref<128x64xi32, #tpu.memory_space<vmem>>) offsets(%dma_start3A_56 : memref<128xi32, #tpu.memory_space<vmem>>) semaphore(%arg10 : memref<!tpu.dma_semaphore, #tpu.memory_space<semaphore_mem>>)
    %scan3A_60 = arith.constant 0 : i32
    %scan3A_61 = arith.constant 0 : i32
    %scan3A_62 = arith.constant 20 : i32
    %scan3A_63 = arith.addi %scan3A_61, %scan3A_62 : i32
    %scan3A_64 = arith.constant 1 : i32
    scf.for %scan3A_70 = %scan3A_61 to %scan3A_63 step %scan3A_64  : i32 {
      %mul3A_71 = arith.constant 2 : i32
      %mul3A_72 = arith.muli %scan3A_70, %mul3A_71 : i32
      %add3A_73 = arith.constant 0 : i32
      %add3A_74 = arith.addi %mul3A_72, %add3A_73 : i32
      %dma_wait3A = arith.constant 0 : i32
      %dma_wait3A_75 = arith.constant 0 : i32
      %dma_wait3A_76 = arith.constant 0 : i32
      %dma_wait3A_77 = tpu.memref_slice %arg8[%dma_wait3A, %dma_wait3A_75, %dma_wait3A_76] : memref<2x128x64xi32, #tpu.memory_space<vmem>> -> memref<1x128x64xi32, #tpu.memory_space<vmem>>
      %dma_wait3A_78 = tpu.memref_squeeze %dma_wait3A_77 : memref<1x128x64xi32, #tpu.memory_space<vmem>> -> memref<128x64xi32, #tpu.memory_space<vmem>>
      %dma_wait3A_79 = arith.constant 0 : i32
      %dma_wait3A_80 = arith.constant 0 : i32
      %dma_wait3A_81 = tpu.memref_slice %arg2[%dma_wait3A_79, %dma_wait3A_80] : memref<20480x64xi32, #tpu.memory_space<hbm>> -> memref<128x64xi32, #tpu.memory_space<hbm>>
      %dma_wait3A_82 = arith.constant 0 : i32
      %dma_wait3A_83 = arith.constant 0 : i32
      %dma_wait3A_84 = tpu.memref_slice %arg8[%dma_wait3A, %dma_wait3A_82, %dma_wait3A_83] : memref<2x128x64xi32, #tpu.memory_space<vmem>> -> memref<1x128x64xi32, #tpu.memory_space<vmem>>
      %dma_wait3A_85 = tpu.memref_squeeze %dma_wait3A_84 : memref<1x128x64xi32, #tpu.memory_space<vmem>> -> memref<128x64xi32, #tpu.memory_space<vmem>>
      %dma_wait3A_86 = arith.constant 0 : i32
      %dma_wait3A_87 = arith.constant 0 : i32
      %dma_wait3A_88 = tpu.memref_slice %arg2[%dma_wait3A_86, %dma_wait3A_87] : memref<20480x64xi32, #tpu.memory_space<hbm>> -> memref<128x64xi32, #tpu.memory_space<hbm>>
      tpu.wait_dma2 semaphore(%arg10 : memref<!tpu.dma_semaphore, #tpu.memory_space<semaphore_mem>>) src(%dma_wait3A_88 : memref<128x64xi32, #tpu.memory_space<hbm>>) dst(%dma_wait3A_85 : memref<128x64xi32, #tpu.memory_space<vmem>>)
      %dma_start3A_89 = arith.constant 0 : i32
      %dma_start3A_90 = arith.constant 0 : i32
      %dma_start3A_91 = arith.constant 0 : i32
      %dma_start3A_92 = tpu.memref_slice %arg8[%dma_start3A_89, %dma_start3A_90, %dma_start3A_91] : memref<2x128x64xi32, #tpu.memory_space<vmem>> -> memref<1x128x64xi32, #tpu.memory_space<vmem>>
      %dma_start3A_93 = tpu.memref_squeeze %dma_start3A_92 : memref<1x128x64xi32, #tpu.memory_space<vmem>> -> memref<128x64xi32, #tpu.memory_space<vmem>>
      %dma_start3A_94 = arith.constant 0 : i32
      %dma_start3A_95 = tpu.memref_slice %arg7[%add3A_74, %dma_start3A_94] : memref<40x128xi32, #tpu.memory_space<vmem>> -> memref<1x128xi32, #tpu.memory_space<vmem>>
      %dma_start3A_96 = tpu.memref_squeeze %dma_start3A_95 : memref<1x128xi32, #tpu.memory_space<vmem>> -> memref<128xi32, #tpu.memory_space<vmem>>
      %dma_start3A_97 = arith.constant 0 : i32
      %dma_start3A_98 = arith.constant 0 : i32
      %dma_start3A_99 = tpu.memref_slice %arg9[%dma_start3A_97, %dma_start3A_98] : memref<10240x64xi32, #tpu.memory_space<vmem_shared>> -> memref<10240x64xi32, #tpu.memory_space<vmem_shared>>
      tpu.enqueue_indirect_dma source(%dma_start3A_93 : memref<128x64xi32, #tpu.memory_space<vmem>>) target(%dma_start3A_99 : memref<10240x64xi32, #tpu.memory_space<vmem_shared>>) offsets(%dma_start3A_96 : memref<128xi32, #tpu.memory_space<vmem>>) semaphore(%arg10 : memref<!tpu.dma_semaphore, #tpu.memory_space<semaphore_mem>>) {add = true}
      %add3A_100 = arith.constant 1 : i32
      %add3A_101 = arith.addi %add3A_74, %add3A_100 : i32
      %lt3A = arith.constant 40 : i32
      %lt3A_102 = arith.cmpi slt, %add3A_101, %lt3A : i32
      %convert_element_type3A = arith.extui %lt3A_102 : i1 to i32
      %cond3A = arith.constant 0 : i32
      %cond3A_103 = arith.cmpi ne, %convert_element_type3A, %cond3A : i32
      scf.if %cond3A_103 {
        %dma_start3A_163 = arith.constant 1 : i32
        %dma_start3A_164 = arith.constant 0 : i32
        %dma_start3A_165 = arith.constant 0 : i32
        %dma_start3A_166 = tpu.memref_slice %arg8[%dma_start3A_163, %dma_start3A_164, %dma_start3A_165] : memref<2x128x64xi32, #tpu.memory_space<vmem>> -> memref<1x128x64xi32, #tpu.memory_space<vmem>>
        %dma_start3A_167 = tpu.memref_squeeze %dma_start3A_166 : memref<1x128x64xi32, #tpu.memory_space<vmem>> -> memref<128x64xi32, #tpu.memory_space<vmem>>
        %dma_start3A_168 = arith.constant 0 : i32
        %dma_start3A_169 = tpu.memref_slice %arg6[%add3A_101, %dma_start3A_168] : memref<40x128xi32, #tpu.memory_space<vmem>> -> memref<1x128xi32, #tpu.memory_space<vmem>>
        %dma_start3A_170 = tpu.memref_squeeze %dma_start3A_169 : memref<1x128xi32, #tpu.memory_space<vmem>> -> memref<128xi32, #tpu.memory_space<vmem>>
        %dma_start3A_171 = arith.constant 0 : i32
        %dma_start3A_172 = arith.constant 0 : i32
        %dma_start3A_173 = tpu.memref_slice %arg2[%dma_start3A_171, %dma_start3A_172] : memref<20480x64xi32, #tpu.memory_space<hbm>> -> memref<20480x64xi32, #tpu.memory_space<hbm>>
        tpu.enqueue_indirect_dma source(%dma_start3A_173 : memref<20480x64xi32, #tpu.memory_space<hbm>>) target(%dma_start3A_167 : memref<128x64xi32, #tpu.memory_space<vmem>>) offsets(%dma_start3A_170 : memref<128xi32, #tpu.memory_space<vmem>>) semaphore(%arg11 : memref<!tpu.dma_semaphore, #tpu.memory_space<semaphore_mem>>)
      } else {
      }
      %dma_wait3A_104 = arith.constant 0 : i32
      %dma_wait3A_105 = arith.constant 0 : i32
      %dma_wait3A_106 = arith.constant 0 : i32
      %dma_wait3A_107 = tpu.memref_slice %arg8[%dma_wait3A_104, %dma_wait3A_105, %dma_wait3A_106] : memref<2x128x64xi32, #tpu.memory_space<vmem>> -> memref<1x128x64xi32, #tpu.memory_space<vmem>>
      %dma_wait3A_108 = tpu.memref_squeeze %dma_wait3A_107 : memref<1x128x64xi32, #tpu.memory_space<vmem>> -> memref<128x64xi32, #tpu.memory_space<vmem>>
      %dma_wait3A_109 = arith.constant 0 : i32
      %dma_wait3A_110 = tpu.memref_slice %arg7[%add3A_74, %dma_wait3A_109] : memref<40x128xi32, #tpu.memory_space<vmem>> -> memref<1x128xi32, #tpu.memory_space<vmem>>
      %dma_wait3A_111 = tpu.memref_squeeze %dma_wait3A_110 : memref<1x128xi32, #tpu.memory_space<vmem>> -> memref<128xi32, #tpu.memory_space<vmem>>
      %dma_wait3A_112 = arith.constant 0 : i32
      %dma_wait3A_113 = arith.constant 0 : i32
      %dma_wait3A_114 = tpu.memref_slice %arg9[%dma_wait3A_112, %dma_wait3A_113] : memref<10240x64xi32, #tpu.memory_space<vmem_shared>> -> memref<10240x64xi32, #tpu.memory_space<vmem_shared>>
      tpu.wait_indirect_dma semaphore(%arg10 : memref<!tpu.dma_semaphore, #tpu.memory_space<semaphore_mem>>) src(%dma_wait3A_108 : memref<128x64xi32, #tpu.memory_space<vmem>>) dst(%dma_wait3A_114 : memref<10240x64xi32, #tpu.memory_space<vmem_shared>>)
      %mul3A_115 = arith.constant 2 : i32
      %mul3A_116 = arith.muli %scan3A_70, %mul3A_115 : i32
      %add3A_117 = arith.constant 1 : i32
      %add3A_118 = arith.addi %mul3A_116, %add3A_117 : i32
      %dma_wait3A_119 = arith.constant 1 : i32
      %dma_wait3A_120 = arith.constant 0 : i32
      %dma_wait3A_121 = arith.constant 0 : i32
      %dma_wait3A_122 = tpu.memref_slice %arg8[%dma_wait3A_119, %dma_wait3A_120, %dma_wait3A_121] : memref<2x128x64xi32, #tpu.memory_space<vmem>> -> memref<1x128x64xi32, #tpu.memory_space<vmem>>
      %dma_wait3A_123 = tpu.memref_squeeze %dma_wait3A_122 : memref<1x128x64xi32, #tpu.memory_space<vmem>> -> memref<128x64xi32, #tpu.memory_space<vmem>>
      %dma_wait3A_124 = arith.constant 0 : i32
      %dma_wait3A_125 = arith.constant 0 : i32
      %dma_wait3A_126 = tpu.memref_slice %arg2[%dma_wait3A_124, %dma_wait3A_125] : memref<20480x64xi32, #tpu.memory_space<hbm>> -> memref<128x64xi32, #tpu.memory_space<hbm>>
      %dma_wait3A_127 = arith.constant 0 : i32
      %dma_wait3A_128 = arith.constant 0 : i32
      %dma_wait3A_129 = tpu.memref_slice %arg8[%dma_wait3A_119, %dma_wait3A_127, %dma_wait3A_128] : memref<2x128x64xi32, #tpu.memory_space<vmem>> -> memref<1x128x64xi32, #tpu.memory_space<vmem>>
      %dma_wait3A_130 = tpu.memref_squeeze %dma_wait3A_129 : memref<1x128x64xi32, #tpu.memory_space<vmem>> -> memref<128x64xi32, #tpu.memory_space<vmem>>
      %dma_wait3A_131 = arith.constant 0 : i32
      %dma_wait3A_132 = arith.constant 0 : i32
      %dma_wait3A_133 = tpu.memref_slice %arg2[%dma_wait3A_131, %dma_wait3A_132] : memref<20480x64xi32, #tpu.memory_space<hbm>> -> memref<128x64xi32, #tpu.memory_space<hbm>>
      tpu.wait_dma2 semaphore(%arg11 : memref<!tpu.dma_semaphore, #tpu.memory_space<semaphore_mem>>) src(%dma_wait3A_133 : memref<128x64xi32, #tpu.memory_space<hbm>>) dst(%dma_wait3A_130 : memref<128x64xi32, #tpu.memory_space<vmem>>)
      %dma_start3A_134 = arith.constant 1 : i32
      %dma_start3A_135 = arith.constant 0 : i32
      %dma_start3A_136 = arith.constant 0 : i32
      %dma_start3A_137 = tpu.memref_slice %arg8[%dma_start3A_134, %dma_start3A_135, %dma_start3A_136] : memref<2x128x64xi32, #tpu.memory_space<vmem>> -> memref<1x128x64xi32, #tpu.memory_space<vmem>>
      %dma_start3A_138 = tpu.memref_squeeze %dma_start3A_137 : memref<1x128x64xi32, #tpu.memory_space<vmem>> -> memref<128x64xi32, #tpu.memory_space<vmem>>
      %dma_start3A_139 = arith.constant 0 : i32
      %dma_start3A_140 = tpu.memref_slice %arg7[%add3A_118, %dma_start3A_139] : memref<40x128xi32, #tpu.memory_space<vmem>> -> memref<1x128xi32, #tpu.memory_space<vmem>>
      %dma_start3A_141 = tpu.memref_squeeze %dma_start3A_140 : memref<1x128xi32, #tpu.memory_space<vmem>> -> memref<128xi32, #tpu.memory_space<vmem>>
      %dma_start3A_142 = arith.constant 0 : i32
      %dma_start3A_143 = arith.constant 0 : i32
      %dma_start3A_144 = tpu.memref_slice %arg9[%dma_start3A_142, %dma_start3A_143] : memref<10240x64xi32, #tpu.memory_space<vmem_shared>> -> memref<10240x64xi32, #tpu.memory_space<vmem_shared>>
      tpu.enqueue_indirect_dma source(%dma_start3A_138 : memref<128x64xi32, #tpu.memory_space<vmem>>) target(%dma_start3A_144 : memref<10240x64xi32, #tpu.memory_space<vmem_shared>>) offsets(%dma_start3A_141 : memref<128xi32, #tpu.memory_space<vmem>>) semaphore(%arg11 : memref<!tpu.dma_semaphore, #tpu.memory_space<semaphore_mem>>) {add = true}
      %add3A_145 = arith.constant 1 : i32
      %add3A_146 = arith.addi %add3A_118, %add3A_145 : i32
      %lt3A_147 = arith.constant 40 : i32
      %lt3A_148 = arith.cmpi slt, %add3A_146, %lt3A_147 : i32
      %convert_element_type3A_149 = arith.extui %lt3A_148 : i1 to i32
      %cond3A_150 = arith.constant 0 : i32
      %cond3A_151 = arith.cmpi ne, %convert_element_type3A_149, %cond3A_150 : i32
      scf.if %cond3A_151 {
        %dma_start3A_163 = arith.constant 0 : i32
        %dma_start3A_164 = arith.constant 0 : i32
        %dma_start3A_165 = arith.constant 0 : i32
        %dma_start3A_166 = tpu.memref_slice %arg8[%dma_start3A_163, %dma_start3A_164, %dma_start3A_165] : memref<2x128x64xi32, #tpu.memory_space<vmem>> -> memref<1x128x64xi32, #tpu.memory_space<vmem>>
        %dma_start3A_167 = tpu.memref_squeeze %dma_start3A_166 : memref<1x128x64xi32, #tpu.memory_space<vmem>> -> memref<128x64xi32, #tpu.memory_space<vmem>>
        %dma_start3A_168 = arith.constant 0 : i32
        %dma_start3A_169 = tpu.memref_slice %arg6[%add3A_146, %dma_start3A_168] : memref<40x128xi32, #tpu.memory_space<vmem>> -> memref<1x128xi32, #tpu.memory_space<vmem>>
        %dma_start3A_170 = tpu.memref_squeeze %dma_start3A_169 : memref<1x128xi32, #tpu.memory_space<vmem>> -> memref<128xi32, #tpu.memory_space<vmem>>
        %dma_start3A_171 = arith.constant 0 : i32
        %dma_start3A_172 = arith.constant 0 : i32
        %dma_start3A_173 = tpu.memref_slice %arg2[%dma_start3A_171, %dma_start3A_172] : memref<20480x64xi32, #tpu.memory_space<hbm>> -> memref<20480x64xi32, #tpu.memory_space<hbm>>
        tpu.enqueue_indirect_dma source(%dma_start3A_173 : memref<20480x64xi32, #tpu.memory_space<hbm>>) target(%dma_start3A_167 : memref<128x64xi32, #tpu.memory_space<vmem>>) offsets(%dma_start3A_170 : memref<128xi32, #tpu.memory_space<vmem>>) semaphore(%arg10 : memref<!tpu.dma_semaphore, #tpu.memory_space<semaphore_mem>>)
      } else {
      }
      %dma_wait3A_152 = arith.constant 1 : i32
      %dma_wait3A_153 = arith.constant 0 : i32
      %dma_wait3A_154 = arith.constant 0 : i32
      %dma_wait3A_155 = tpu.memref_slice %arg8[%dma_wait3A_152, %dma_wait3A_153, %dma_wait3A_154] : memref<2x128x64xi32, #tpu.memory_space<vmem>> -> memref<1x128x64xi32, #tpu.memory_space<vmem>>
      %dma_wait3A_156 = tpu.memref_squeeze %dma_wait3A_155 : memref<1x128x64xi32, #tpu.memory_space<vmem>> -> memref<128x64xi32, #tpu.memory_space<vmem>>
      %dma_wait3A_157 = arith.constant 0 : i32
      %dma_wait3A_158 = tpu.memref_slice %arg7[%add3A_118, %dma_wait3A_157] : memref<40x128xi32, #tpu.memory_space<vmem>> -> memref<1x128xi32, #tpu.memory_space<vmem>>
      %dma_wait3A_159 = tpu.memref_squeeze %dma_wait3A_158 : memref<1x128xi32, #tpu.memory_space<vmem>> -> memref<128xi32, #tpu.memory_space<vmem>>
      %dma_wait3A_160 = arith.constant 0 : i32
      %dma_wait3A_161 = arith.constant 0 : i32
      %dma_wait3A_162 = tpu.memref_slice %arg9[%dma_wait3A_160, %dma_wait3A_161] : memref<10240x64xi32, #tpu.memory_space<vmem_shared>> -> memref<10240x64xi32, #tpu.memory_space<vmem_shared>>
      tpu.wait_indirect_dma semaphore(%arg11 : memref<!tpu.dma_semaphore, #tpu.memory_space<semaphore_mem>>) src(%dma_wait3A_156 : memref<128x64xi32, #tpu.memory_space<vmem>>) dst(%dma_wait3A_162 : memref<10240x64xi32, #tpu.memory_space<vmem_shared>>)
    }
    %scan3A_65 = arith.constant 20 : i32
    %barrier3A_66 = arith.constant 0 : index
    tpu.barrier barrier_id(%barrier3A_66)
    %mul3A_67 = arith.constant 10240 : i32
    %mul3A_68 = arith.muli %arg0, %mul3A_67 : i32
    %add3A_69 = arith.addi %mul3A_68, %mul3A_2 : i32
    "tpu.region"() ({
      %run_scoped3A_70 = tpu.sem_alloc : memref<!tpu.dma_semaphore, #tpu.memory_space<semaphore_mem>>
      %dma_start3A_71 = arith.constant 0 : i32
      %dma_start3A_72 = tpu.memref_slice %arg5[%add3A_69, %dma_start3A_71] : memref<20480x64xi32, #tpu.memory_space<hbm>> -> memref<640x64xi32, #tpu.memory_space<hbm>>
      %dma_start3A_73 = arith.constant 0 : i32
      %dma_start3A_74 = tpu.memref_slice %arg9[%mul3A_2, %dma_start3A_73] : memref<10240x64xi32, #tpu.memory_space<vmem_shared>> -> memref<640x64xi32, #tpu.memory_space<vmem_shared>>
      tpu.enqueue_dma source(%dma_start3A_74 : memref<640x64xi32, #tpu.memory_space<vmem_shared>>) target(%dma_start3A_72 : memref<640x64xi32, #tpu.memory_space<hbm>>) target_semaphore(%run_scoped3A_70 : memref<!tpu.dma_semaphore, #tpu.memory_space<semaphore_mem>>)
      %dma_wait3A = arith.constant 0 : i32
      %dma_wait3A_75 = tpu.memref_slice %arg5[%add3A_69, %dma_wait3A] : memref<20480x64xi32, #tpu.memory_space<hbm>> -> memref<640x64xi32, #tpu.memory_space<hbm>>
      %dma_wait3A_76 = arith.constant 0 : i32
      %dma_wait3A_77 = tpu.memref_slice %arg9[%mul3A_2, %dma_wait3A_76] : memref<10240x64xi32, #tpu.memory_space<vmem_shared>> -> memref<640x64xi32, #tpu.memory_space<vmem_shared>>
      tpu.wait_dma2 semaphore(%run_scoped3A_70 : memref<!tpu.dma_semaphore, #tpu.memory_space<semaphore_mem>>) src(%dma_wait3A_77 : memref<640x64xi32, #tpu.memory_space<vmem_shared>>) dst(%dma_wait3A_75 : memref<640x64xi32, #tpu.memory_space<hbm>>)
      tpu.yield
    }) : () -> ()
    return
  }
}

module attributes {stable_mosaic.version = 14 : i64} {
  func.func @_featurize_kernel(%arg0: i32, %arg1: memref<1024x128xf32, #tpu.memory_space<vmem>>, %arg2: memref<128x64xf32, #tpu.memory_space<vmem>>, %arg3: memref<2x1024x64xi32, #tpu.memory_space<vmem>>) attributes {dimension_semantics = [#tpu.dimension_semantics<arbitrary>], iteration_bounds = array<i64: 10>, scalar_prefetch = 0 : i64, scratch_operands = 0 : i64, tpu.core_type = #tpu.core_type<tc>, window_params = [{transform_indices = @transform_0, window_bounds = array<i64: 1024, 128>}, {pipeline_mode = #tpu.pipeline_mode<synchronous>, transform_indices = @transform_1, window_bounds = array<i64: 128, 64>}, {transform_indices = @transform_2, window_bounds = array<i64: 2, 1024, 64>}]} {
    %get3A = arith.constant 0 : index
    %get3A_0 = arith.constant 0 : index
    %get3A_1 = vector.load %arg1[%get3A, %get3A_0] : memref<1024x128xf32, #tpu.memory_space<vmem>>, vector<1024x128xf32>
    %get3A_2 = arith.constant 0 : index
    %get3A_3 = arith.constant 0 : index
    %get3A_4 = vector.load %arg2[%get3A_2, %get3A_3] : memref<128x64xf32, #tpu.memory_space<vmem>>, vector<128x64xf32>
    %dot_general3A = arith.constant dense<0.000000e+00> : vector<1024x64xf32>
    %dot_general3A_5 = tpu.matmul %get3A_1, %get3A_4, %dot_general3A {dimension_numbers = #tpu.dot_dimension_numbers<[1], [0], [0], [1], [0, 0, 1, 1], [], []>, transpose_lhs_hint = false} : vector<1024x128xf32>, vector<128x64xf32>, vector<1024x64xf32> -> vector<1024x64xf32>
    %abs3A = math.absf %dot_general3A_5 : vector<1024x64xf32>
    %add3A = arith.constant 9.99999996E-13 : f32
    %add3A_6 = vector.broadcast %add3A : f32 to vector<1024x64xf32>
    %add3A_7 = arith.addf %abs3A, %add3A_6 : vector<1024x64xf32>
    %log3A = math.log %add3A_7 : vector<1024x64xf32>
    %max3A = arith.constant -1.600000e+01 : f32
    %max3A_8 = vector.broadcast %max3A : f32 to vector<1024x64xf32>
    %max3A_9 = arith.maximumf %log3A, %max3A_8 : vector<1024x64xf32>
    %mul3A = arith.constant 4.096000e+03 : f32
    %mul3A_10 = vector.broadcast %mul3A : f32 to vector<1024x64xf32>
    %mul3A_11 = arith.mulf %max3A_9, %mul3A_10 : vector<1024x64xf32>
    %round3A = math.roundeven %mul3A_11 : vector<1024x64xf32>
    %convert_element_type3A = arith.fptosi %round3A : vector<1024x64xf32> to vector<1024x64xi32>
    %lt3A = arith.constant 0.000000e+00 : f32
    %lt3A_12 = vector.broadcast %lt3A : f32 to vector<1024x64xf32>
    %lt3A_13 = arith.cmpf olt, %dot_general3A_5, %lt3A_12 : vector<1024x64xf32>
    %convert_element_type3A_14 = arith.extui %lt3A_13 : vector<1024x64xi1> to vector<1024x64xi32>
    %shift_left3A = arith.constant 24 : i32
    %shift_left3A_15 = vector.broadcast %shift_left3A : i32 to vector<1024x64xi32>
    %shift_left3A_16 = arith.shli %convert_element_type3A_14, %shift_left3A_15 : vector<1024x64xi32>
    %add3A_17 = arith.addi %shift_left3A_16, %convert_element_type3A : vector<1024x64xi32>
    %swap3A = arith.constant 0 : index
    %swap3A_18 = arith.constant 0 : index
    %swap3A_19 = arith.constant 0 : index
    %swap3A_20 = vector.load %arg3[%swap3A, %swap3A_18, %swap3A_19] : memref<2x1024x64xi32, #tpu.memory_space<vmem>>, vector<1x1024x64xi32>
    %swap3A_21 = vector.shape_cast %swap3A_20 : vector<1x1024x64xi32> to vector<1024x64xi32>
    %swap3A_22 = vector.shape_cast %add3A_17 : vector<1024x64xi32> to vector<1x1024x64xi32>
    tpu.vector_store %arg3[%swap3A, %swap3A_18, %swap3A_19], %swap3A_22 {strides = array<i32>} : memref<2x1024x64xi32, #tpu.memory_space<vmem>>, vector<1x1024x64xi32>,
    %swap3A_23 = arith.constant 1 : index
    %swap3A_24 = arith.constant 0 : index
    %swap3A_25 = arith.constant 0 : index
    %swap3A_26 = vector.load %arg3[%swap3A_23, %swap3A_24, %swap3A_25] : memref<2x1024x64xi32, #tpu.memory_space<vmem>>, vector<1x1024x64xi32>
    %swap3A_27 = vector.shape_cast %swap3A_26 : vector<1x1024x64xi32> to vector<1024x64xi32>
    %swap3A_28 = vector.shape_cast %add3A_17 : vector<1024x64xi32> to vector<1x1024x64xi32>
    tpu.vector_store %arg3[%swap3A_23, %swap3A_24, %swap3A_25], %swap3A_28 {strides = array<i32>} : memref<2x1024x64xi32, #tpu.memory_space<vmem>>, vector<1x1024x64xi32>,
    return
  }
  func.func @transform_0(%arg0: i32) -> (i32, i32) {
    %c0_i32 = arith.constant 0 : i32
    %c0_i32_0 = arith.constant 0 : i32
    return %arg0, %c0_i32 : i32, i32
  }
  func.func @transform_1(%arg0: i32) -> (i32, i32) {
    %c0_i32 = arith.constant 0 : i32
    %c0_i32_0 = arith.constant 0 : i32
    %c0_i32_1 = arith.constant 0 : i32
    return %c0_i32, %c0_i32_0 : i32, i32
  }
  func.func @transform_2(%arg0: i32) -> (i32, i32, i32) {
    %c0_i32 = arith.constant 0 : i32
    %c0_i32_0 = arith.constant 0 : i32
    %c0_i32_1 = arith.constant 0 : i32
    return %c0_i32, %arg0, %c0_i32_0 : i32, i32, i32
  }
}

module attributes {stable_mosaic.version = 14 : i64} {
  func.func @_combine_kernel(%arg0: i32, %arg1: memref<2x1024x64xi32, #tpu.memory_space<vmem>>, %arg2: memref<128x64xf32, #tpu.memory_space<vmem>>, %arg3: memref<1024x128xf32, #tpu.memory_space<vmem>>) attributes {dimension_semantics = [#tpu.dimension_semantics<arbitrary>], iteration_bounds = array<i64: 10>, scalar_prefetch = 0 : i64, scratch_operands = 0 : i64, tpu.core_type = #tpu.core_type<tc>, window_params = [{transform_indices = @transform_0, window_bounds = array<i64: 2, 1024, 64>}, {pipeline_mode = #tpu.pipeline_mode<synchronous>, transform_indices = @transform_1, window_bounds = array<i64: 128, 64>}, {transform_indices = @transform_2, window_bounds = array<i64: 1024, 128>}]} {
    %get3A = arith.constant 0 : index
    %get3A_0 = arith.constant 0 : index
    %get3A_1 = arith.constant 0 : index
    %get3A_2 = vector.load %arg1[%get3A, %get3A_0, %get3A_1] : memref<2x1024x64xi32, #tpu.memory_space<vmem>>, vector<1x1024x64xi32>
    %get3A_3 = vector.shape_cast %get3A_2 : vector<1x1024x64xi32> to vector<1024x64xi32>
    %get3A_4 = arith.constant 1 : index
    %get3A_5 = arith.constant 0 : index
    %get3A_6 = arith.constant 0 : index
    %get3A_7 = vector.load %arg1[%get3A_4, %get3A_5, %get3A_6] : memref<2x1024x64xi32, #tpu.memory_space<vmem>>, vector<1x1024x64xi32>
    %get3A_8 = vector.shape_cast %get3A_7 : vector<1x1024x64xi32> to vector<1024x64xi32>
    %add3A = arith.addi %get3A_3, %get3A_8 : vector<1024x64xi32>
    %add3A_9 = arith.constant 8388608 : i32
    %add3A_10 = vector.broadcast %add3A_9 : i32 to vector<1024x64xi32>
    %add3A_11 = arith.addi %add3A, %add3A_10 : vector<1024x64xi32>
    %shift_right_arithmetic3A = arith.constant 24 : i32
    %shift_right_arithmetic3A_12 = vector.broadcast %shift_right_arithmetic3A : i32 to vector<1024x64xi32>
    %shift_right_arithmetic3A_13 = arith.shrsi %add3A_11, %shift_right_arithmetic3A_12 : vector<1024x64xi32>
    %shift_left3A = arith.constant 24 : i32
    %shift_left3A_14 = vector.broadcast %shift_left3A : i32 to vector<1024x64xi32>
    %shift_left3A_15 = arith.shli %shift_right_arithmetic3A_13, %shift_left3A_14 : vector<1024x64xi32>
    %sub3A = arith.subi %add3A, %shift_left3A_15 : vector<1024x64xi32>
    %convert_element_type3A = arith.sitofp %sub3A : vector<1024x64xi32> to vector<1024x64xf32>
    %mul3A = arith.constant 2.44140625E-4 : f32
    %mul3A_16 = vector.broadcast %mul3A : f32 to vector<1024x64xf32>
    %mul3A_17 = arith.mulf %convert_element_type3A, %mul3A_16 : vector<1024x64xf32>
    %and3A = arith.constant 1 : i32
    %and3A_18 = vector.broadcast %and3A : i32 to vector<1024x64xi32>
    %and3A_19 = arith.andi %shift_right_arithmetic3A_13, %and3A_18 : vector<1024x64xi32>
    %mul3A_20 = arith.constant 2 : i32
    %mul3A_21 = vector.broadcast %mul3A_20 : i32 to vector<1024x64xi32>
    %mul3A_22 = arith.muli %mul3A_21, %and3A_19 : vector<1024x64xi32>
    %sub3A_23 = arith.constant 1 : i32
    %sub3A_24 = vector.broadcast %sub3A_23 : i32 to vector<1024x64xi32>
    %sub3A_25 = arith.subi %sub3A_24, %mul3A_22 : vector<1024x64xi32>
    %convert_element_type3A_26 = arith.sitofp %sub3A_25 : vector<1024x64xi32> to vector<1024x64xf32>
    %exp3A = math.exp %mul3A_17 : vector<1024x64xf32>
    %mul3A_27 = arith.mulf %convert_element_type3A_26, %exp3A : vector<1024x64xf32>
    %get3A_28 = arith.constant 0 : index
    %get3A_29 = arith.constant 0 : index
    %get3A_30 = vector.load %arg2[%get3A_28, %get3A_29] : memref<128x64xf32, #tpu.memory_space<vmem>>, vector<128x64xf32>
    %dot_general3A = arith.constant dense<0.000000e+00> : vector<1024x128xf32>
    %dot_general3A_31 = tpu.matmul %mul3A_27, %get3A_30, %dot_general3A {dimension_numbers = #tpu.dot_dimension_numbers<[1], [1], [0], [0], [0, 0, 1, 0], [], []>, transpose_lhs_hint = false} : vector<1024x64xf32>, vector<128x64xf32>, vector<1024x128xf32> -> vector<1024x128xf32>
    %swap3A = arith.constant 0 : index
    %swap3A_32 = arith.constant 0 : index
    %swap3A_33 = vector.load %arg3[%swap3A, %swap3A_32] : memref<1024x128xf32, #tpu.memory_space<vmem>>, vector<1024x128xf32>
    tpu.vector_store %arg3[%swap3A, %swap3A_32], %dot_general3A_31 {strides = array<i32>} : memref<1024x128xf32, #tpu.memory_space<vmem>>, vector<1024x128xf32>,
    return
  }
  func.func @transform_0(%arg0: i32) -> (i32, i32, i32) {
    %c0_i32 = arith.constant 0 : i32
    %c0_i32_0 = arith.constant 0 : i32
    %c0_i32_1 = arith.constant 0 : i32
    return %c0_i32, %arg0, %c0_i32_0 : i32, i32, i32
  }
  func.func @transform_1(%arg0: i32) -> (i32, i32) {
    %c0_i32 = arith.constant 0 : i32
    %c0_i32_0 = arith.constant 0 : i32
    %c0_i32_1 = arith.constant 0 : i32
    return %c0_i32, %c0_i32_0 : i32, i32
  }
  func.func @transform_2(%arg0: i32) -> (i32, i32) {
    %c0_i32 = arith.constant 0 : i32
    %c0_i32_0 = arith.constant 0 : i32
    return %arg0, %c0_i32 : i32, i32
  }
}

</mosaic_0001>

<sc_bundles>
// kernel: kernel.5.cloned.1.call-start
scs
__scs_entry_jumppad:
0x0: {  	(pc) =	sbr.rel $0x88, $3  }
0x1: {  	(tag) =	ssettag $0x0;
	lr =	simm.s32 $0x1  }
0x2: {  	[smem:$0x3F9D] =	sst lr;
	_ =	strace $0xD0000000  }
0x3: {  	_ = 	snop  }
0x4: {  	_ = 	snop  }
0x5: {  	_ = 	snop  }
0x6: {  	_ = 	snop  }
0x7: {  	_ = 	snop  }
__scs_overlays_trampoline_lowered:
0x8: {  	[smem:$0x3FAC] =	sst s0  }
0x9: {  	[smem:$0x3FAD] =	sst s1  }
0xa: {  	[smem:$0x3FAE] =	sst s2  }
0xb: {  	[smem:$0x3FAF] =	sst s3  }
0xc: {  	[smem:$0x3FB0] =	sst s4  }
0xd: {  	[smem:$0x3FB1] =	sst s5  }
0xe: {  	[smem:$0x3FB2] =	sst s6  }
0xf: {  	[smem:$0x3FB3] =	sst s7  }
0x10: {  	[smem:$0x3FB4] =	sst s8  }
0x11: {  	[smem:$0x3FB5] =	sst s9;
	s0 =	simm.s32 @!p0 $0x0  }
0x12: {  	s1 =	sld [smem:$0x3F9B];
	s0 =	simm.s32 @p0 $0x1  }
0x13: {  	[smem:$0x3FB6] =	sst s0;
	s0 =	simm.s32 @!p1 $0x0  }
0x14: {  	s2 =	sld [smem:$0x3F9A];
	s0 =	simm.s32 @p1 $0x1  }
0x15: {  	[smem:$0x3FB7] =	sst s0;
	s0 =	simm.s32 @!p2 $0x0  }
0x16: {  	s3 =	sld [smem:$0x3FDB];
	s0 =	simm.s32 @p2 $0x1  }
0x17: {  	s4 =	simm.s32 $0x1BF5;
	[smem:$0x3FB9] =	sst s0  }
0x18: {  	s0 =	sld [smem:$0x3F9C];
	_ =	swait.ge [sflag:s4], $0x0  }
0x19: {  	s7 =	sld [smem:$0x3F9D]  }
0x1a: {  	s8 =	sadd.s32 $0xFFFFE003, lr  }
0x1b: {  	s9 =	sadd.s32 $0xFFFFFEF7, lr;
	s5 =	simm.s32 $0xFFFFFFFF;
	p2 =	slt.u32 s8, $0xFFFFF086  }
0x1c: {  	p1 =	slt.u32 s9, $0xF7A;
	s5 =	simm.s32 @!p2 $0x0  }
0x1d: {  	s5 =	simm.s32 @p1 $0x1;
	p0 =	seq.s32 s7, s2  }
0x1e: {  	s7 =	smul.u32 @!p0 $0xF7A, s2;
	p2 =	seq.s32 @!p0 s5, $0x0  }
0x1f: {  	s9 =	smul.u32 $0xF7A, s1;
	s8 =	simm.s32 @!p0 $0x1BF5;
	p2 =	por !p2, p0  }
0x20: {  	[sflag:s8] =	ssyncset.s32 @!p0 $0xFFFFF086;
	s6 =	sadd.s32 @!p0 s3, s7;
	s7 =	simm.s32 @!p0 $0x108  }
0x21: {  	s3 =	sadd.s32 s3, s9;
	s6 =	sadd.s32 @!p0 $0x88, s6;
	s7 =	simm.s32 @p2 $0x1082  }
0x22: {  	[simem:s7], [sflag:s8] =	dma.local @!p0 [hbm:s6], $0xF7A  }
0x23: {  	s9 =	sor.u32 $0xD0000000, s2;
	s6 =	simm.s32 $0x108;
	_ =	swait.ge @!p0 [sflag:s8], $0x0  }
0x24: {  	s3 =	sadd.s32 $0x88, s3;
	s6 =	simm.s32 @!p1 $0x1082;
	[sflag:s4] =	ssyncset.s32 $0xFFFFF086  }
0x25: {  	[simem:s6], [sflag:s4] =	dma.local [hbm:s3], $0xF7A  }
0x26: {  	[smem:$0x3F9D] =	sst s1;
	(tag) =	ssettag s2;
	_ =	strace s9  }
0x27: {  	s1 =	sld [smem:$0x3FAD]  }
0x28: {  	s2 =	sld [smem:$0x3FAE]  }
0x29: {  	s4 =	sld [smem:$0x3FB0]  }
0x2a: {  	p0 =	seq.s32 s5, $0x0;
	s5 =	sld [smem:$0x3FB1]  }
0x2b: {  	s6 =	sld [smem:$0x3FB2]  }
0x2c: {  	s7 =	sld [smem:$0x3FB3]  }
0x2d: {  	s3 =	simm.s32 $0x108;
	s8 =	sld [smem:$0x3FB4]  }
0x2e: {  	s3 =	simm.s32 @!p0 $0x1082;
	s9 =	sld [smem:$0x3FB5]  }
0x2f: {  	lr =	sadd.s32 s0, s3;
	s0 =	sld [smem:$0x3FAC]  }
0x30: {  	s3 =	sld [smem:$0x3FAF]  }
0x31: {  	[smem:$0x3FB8] =	sst s10  }
0x32: {  	s10 =	sld [smem:$0x3FB6];
	_ =	sdelay $0x3  }
0x33: {  	p0 =	seq.s32 s10, $0x1;
	s10 =	sld [smem:$0x3FB8];
	_ =	sdelay $0x3  }
0x34: {  	[smem:$0x3FB8] =	sst s10  }
0x35: {  	s10 =	sld [smem:$0x3FB7];
	_ =	sdelay $0x3  }
0x36: {  	p1 =	seq.s32 s10, $0x1;
	s10 =	sld [smem:$0x3FB8];
	_ =	sdelay $0x3  }
0x37: {  	[smem:$0x3FB8] =	sst s10  }
0x38: {  	s10 =	sld [smem:$0x3FB9]  }
0x39: {  	_ = 	snop;
	(pc) =	sbr.ind lr, $3  }
0x3a: {  	_ = 	snop  }
0x3b: {  	_ = 	snop  }
0x3c: {  	p2 =	seq.s32 s10, $0x1;
	s10 =	sld [smem:$0x3FB8]  }
0x3d: {  	_ =	shalt  }
0x3e: {  	_ =	shalt  }
0x3f: {  	_ =	shalt  }
0x40: {  	_ =	shalt  }
0x41: {  	_ =	shalt  }
0x42: {  	_ =	shalt  }
0x43: {  	_ =	shalt  }
0x44: {  	_ =	shalt  }
0x45: {  	_ =	shalt  }
0x46: {  	_ =	shalt  }
0x47: {  	_ =	shalt  }
0x48: {  	_ =	shalt  }
0x49: {  	_ =	shalt  }
0x4a: {  	_ =	shalt  }
0x4b: {  	_ =	shalt  }
0x4c: {  	_ =	shalt  }
0x4d: {  	_ =	shalt  }
0x4e: {  	_ =	shalt  }
0x4f: {  	_ =	shalt  }
0x50: {  	_ =	shalt  }
0x51: {  	_ =	shalt  }
0x52: {  	_ =	shalt  }
0x53: {  	_ =	shalt  }
0x54: {  	_ =	shalt  }
0x55: {  	_ =	shalt  }
0x56: {  	_ =	shalt  }
0x57: {  	_ =	shalt  }
0x58: {  	_ =	shalt  }
0x59: {  	_ =	shalt  }
0x5a: {  	_ =	shalt  }
0x5b: {  	_ =	shalt  }
0x5c: {  	_ =	shalt  }
0x5d: {  	_ =	shalt  }
0x5e: {  	_ =	shalt  }
0x5f: {  	_ =	shalt  }
0x60: {  	_ =	shalt  }
0x61: {  	_ =	shalt  }
0x62: {  	_ =	shalt  }
0x63: {  	_ =	shalt  }
0x64: {  	_ =	shalt  }
0x65: {  	_ =	shalt  }
0x66: {  	_ =	shalt  }
0x67: {  	_ =	shalt  }
0x68: {  	_ =	shalt  }
0x69: {  	_ =	shalt  }
0x6a: {  	_ =	shalt  }
0x6b: {  	_ =	shalt  }
0x6c: {  	_ =	shalt  }
0x6d: {  	_ =	shalt  }
0x6e: {  	_ =	shalt  }
0x6f: {  	_ =	shalt  }
0x70: {  	_ =	shalt  }
0x71: {  	_ =	shalt  }
0x72: {  	_ =	shalt  }
0x73: {  	_ =	shalt  }
0x74: {  	_ =	shalt  }
0x75: {  	_ =	shalt  }
0x76: {  	_ =	shalt  }
0x77: {  	_ =	shalt  }
0x78: {  	_ =	shalt  }
0x79: {  	_ =	shalt  }
0x7a: {  	_ =	shalt  }
0x7b: {  	_ =	shalt  }
0x7c: {  	_ =	shalt  }
0x7d: {  	_ =	shalt  }
0x7e: {  	_ =	shalt  }
0x7f: {  	_ =	shalt  }
0x80: {  	_ =	shalt  }
0x81: {  	_ =	shalt  }
0x82: {  	_ =	shalt  }
0x83: {  	_ =	shalt  }
0x84: {  	_ =	shalt  }
0x85: {  	_ =	shalt  }
0x86: {  	_ =	shalt  }
0x87: {  	_ =	shalt  }
.Lfunc_end0:
.L_simem_size_0:
called_computation_lowered:
.L_overlay_start_0:
0x88: {  	s2 =	sld [smem:$0x3FD9]  }
0x89: {  	s3 =	sld [smem:$0x3FFE];
	_ =	sdelay $0x1  }
0x8a: {  	s1 =	srdreg.scid  }
0x8b: {  	s0 =	sand.u32 $0x1, s1  }
0x8c: {  	s17 =	sshll.u32 s0, $0xA;
	s2 =	sadd.s32 s3, s2  }
0x8d: {  	s2 =	sadd.s32 s2, s17  }
0x8e: {  	[smem:$0x3FC4] =	sst s2  }
0x8f: {  	_ = 	snop  }
0x90: {  	s2 =	sld [smem:$0x3FD0];
	(tm) =	ssettm $0x1  }
0x91: {  	s18 =	sld [smem:$0x3FFB];
	_ =	sdelay $0x3  }
0x92: {  	_ =	strace s18  }
0x93: {  	s3 =	sld [smem:$0x3FFC];
	_ =	sdelay $0x3  }
0x94: {  	_ =	strace s3  }
0x95: {  	s3 =	sld [smem:$0x3FFD];
	_ =	sdelay $0x3  }
0x96: {  	_ =	strace s3  }
0x97: {  	_ =	strace $0x8FFFFFFF  }
0x98: {  	s19 =	sld [smem:$0x3FDB];
	_ =	sdelay $0x1  }
0x99: {  	s4 =	simm.s32 $_scs_section_size  }
0x9a: {  	s5 =	simm.s32 $_size__tile_overlayer_lowered;
	s6 =	simm.s32 $_tile_overlayer_lowered  }
0x9b: {  	s22 =	simm.s32 $0x1BFF;
	s21 =	sshll.u32 s6, $0x1;
	s3 =	sadd.s32 s4, s19  }
0x9c: {  	s7 =	simm.s32 $0x0;
	s20 =	sshll.u32 s5, $0x1;
	s5 =	sadd.s32 s21, s3  }
0x9d: {  	[timem:s7], [sflag:s22] =	dma.local [hbm:s5], s20  }
0x9e: {  	_ =	swait.ge [sflag:s22], s20  }
0x9f: {  	s4 =	ssub.s32 $0x0, s20;
	[sflag:s22] =	ssyncset.done $0x0  }
0xa0: {  	[sflag:s22] =	ssyncadd.s32 s4;
	_ =	sdelay $0x1  }
0xa1: {  	s23 =	simm.s32 $0x1B8B  }
0xa2: {  	_ =	swait.ge [sflag:s23], $0x1  }
0xa3: {  	[sflag:s23] =	ssyncset.done $0x0  }
0xa4: {  	s25 =	simm.s32 $0x1B8E;
	s24 =	sld [smem:$0x3FFE];
	[sflag:s23] =	ssyncadd.s32 $0xFFFFFFFF  }
0xa5: {  	s26 =	simm.s32 $execute0_lowered;
	[smem:$0x3FD2] =	sst s25  }
0xa6: {  	s5 =	sshll.u32 s26, $0x1;
	_ =	strace $0x80000046;
	[dreg:$0x1] =	wrdreg $0xFFFFFFFF  }
0xa7: {  	s28 =	simm.s32 $_size_execute0_lowered;
	s3 =	sadd.s32 s3, s5;
	[dreg:$0x0] =	wrdreg $0x0  }
0xa8: {  	s5 =	sshll.u32 s28, $0x1;
	[dreg:$0x2] =	wrdreg s3  }
0xa9: {  	[dreg:$0x3] =	wrdreg s5  }
0xaa: {  	[dreg:$0x4] =	wrdreg $0xC0  }
0xab: {  	_ =	task [dreg:s7], $0x5FFFF  }
0xac: {  	[dreg:$0x1] =	wrdreg $0xFFFFFFFF  }
0xad: {  	[dreg:$0x0] =	wrdreg $0x60  }
0xae: {  	[dreg:$0x2] =	wrdreg s24  }
0xaf: {  	[dreg:$0x3] =	wrdreg s2  }
0xb0: {  	[dreg:$0x4] =	wrdreg $0x68000  }
0xb1: {  	[dreg:$0x5] =	wrdreg $0x9  }
0xb2: {  	_ =	task.clear_ibuf [dreg:s7], $0x6FFFF;
	_ =	strace $0x90000046  }
0xb3: {  	s29 =	simm.s32 $0x9;
	_ =	strace $0x80000048  }
0xb4: {  	_ =	swait.ge [sflag:s29], $0x1  }
0xb5: {  	[sflag:s29] =	ssyncadd.s32 $0xFFFFFFFF  }
0xb6: {  	_ =	strace $0x90000048  }
0xb7: {  	_ =	sfence  }
0xb8: {  	s30 =	sld [smem:$0x0];
	_ =	sdelay $0x2  }
0xb9: {  	s31 =	sshll.u32 s1, $0xD;
	s1 =	sshrl.u32 s1, $0x2  }
0xba: {  	s3 =	sand.u32 $0x4000, s31;
	s1 =	sadd.s32 s1, s30  }
0xbb: {  	s0 =	sor.u32 s3, s0;
	s1 =	sshll.u32 s1, $0x11  }
0xbc: {  	s0 =	sor.u32 s1, s0  }
0xbd: {  	s0 =	sadd.s32 $0x8F2B, s0  }
0xbe: {  	[sflag:s0] =	ssyncadd.remote.s32 $0x1  }
0xbf: {  	_ =	sfence.sel $0xFFFF  }
0xc0: {  	[dreg:$0x0] =	wrdreg $0xFFFFFFFF;
	(pc) =	sbr.abs _section_cstart, $3  }
0xc1: {  	[dreg:$0x1] =	wrdreg $0xFFFFFFFF  }
0xc2: {  	_ =	task.clear_ibuf [dreg:s7], $0x2FFFF;
	_ =	strace $0x9FFFFFFF  }
0xc3: {  	(tm) =	ssettm $0x7FFFFFFF  }
tec
execute0_lowered:
.L_overlay_start_1:
0x0: {  	(tag) =	ssettag $0x1  }
0x1: {  	s5 =	rddreg [dreg:$0x0]  }
0x2: {  	s13 =	rddreg [dreg:$0x1]  }
0x3: {  	s2 =	rddreg [dreg:$0x2]  }
0x4: {  	s0 =	rddreg [dreg:$0x3]  }
0x5: {  	s4 =	srdreg.scid;
	s1 =	stileid.u32  }
0x6: {  	s3 =	simm.s32 $0x0;
	s17 =	simm.s32 $0x3;
	s18 =	simm.s32 $0x1400  }
0x7: {  	s19 =	simm.s32 $0x80;
	s20 =	simm.s32 $0x1;
	s21 =	simm.s32 $0x4800  }
0x8: {  	s22 =	simm.s32 $0x2;
	s23 =	simm.s32 $0x2700;
	s24 =	simm.s32 $0x1380  }
0x9: {  	s25 =	simm.s32 $0x2780;
	s6 =	sand.u32 $0x1, s4;
	s7 =	smul.u32 $0x1400, s1  }
0xa: {  	[smem:$0x7FF] =	sst s3;
	s4 =	sadd.s32 $0x200, s5;
	s26 =	smul.u32 $0x28000, s1  }
0xb: {  	s12 =	sadd.s32 $0x28200, s5;
	s8 =	smul.u32 $0x14000, s6;
	s28 =	sshll.u32 s6, $0x4  }
0xc: {  	_ =	strace $0x80000047;
	s6 =	ssub.s32 $0x2, s6;
	s29 =	sor.u32 s1, s28  }
0xd: {  	s30 =	sshrl.u32 s26, $0x2;
	s31 =	sshrl.u32 s6, $0x1;
	s9 =	smul.u32 $0x2800, s29  }
0xe: {  	s7 =	sadd.s32 s7, s8;
	s15 =	ssub.s32 s6, s31;
	s11 =	smul.u32 $0x500, s29  }
0xf: {  	s14 =	sadd.s32 s7, s5;
	s5 =	sadd.s32 s30, s2;
	s15 =	smax.u32 s15, $0x1  }
0x10: {  	s6 =	sadd.s32 $0x2000, s5;
	s7 =	sadd.s32 $0x4000, s5;
	s8 =	sadd.s32 $0x6000, s5  }
0x11: {  	s16 =	sshrl.u32 s9, $0x3;
	s9 =	sadd.s32 $0x8000, s5;
	s10 =	sadd.s32 s12, s11  }
0x12: {  	s11 =	sadd.s32 s13, s11;
	s14 =	sadd.s32 $0x32200, s14;
	s16 =	sadd.s32 $0x280, s16  }
0x13: {  	v0 =	vimm.s32 $0x0;
	s12 =	sadd.s32 s12, s16;
	s13 =	sadd.s32 s13, s16;
	s16 =	simm.s32 $0x2800  }
.LBB2_1:
0x14: {  	s28 =	simm.s32 $0x100;
	s26 =	simm.s32 $0x0  }
.LBB2_2:
0x15: {  	p0 =	sne.s32 s28, $0x7F00;
	[tilespmem:s26+$0x2830] =	vst v0;
	s29 =	smov.u32 s28;
	s28 =	sadd.s32 $0x100, s28  }
.Ltmp0:
0x16: {  	[tilespmem:s26+$0x2820] =	vst v0;
	(pc) =	sbr.rel @p0 .LBB2_2-.Ltmp0, $3  }
0x17: {  	[tilespmem:s26+$0x2800] =	vst v0  }
0x18: {  	[tilespmem:s26+$0x2810] =	vst v0;
	_ =	sdelay $0x1  }
0x19: {  	s26 =	sshra.s32 s29, $0x2  }
0x1a: {  	[tilespmem:s26+$0x2830] =	vst v0  }
0x1b: {  	[tilespmem:s26+$0x2820] =	vst v0  }
0x1c: {  	[tilespmem:s26+$0x2800] =	vst v0  }
0x1d: {  	[tilespmem:s26+$0x2810] =	vst v0  }
0x1e: {  	[spmem:s5] =	stream.linear.scatter [tilespmem:s16], [sflag:$0x3], $0x2000, $0x38;
	[tilespmem:$0x10800] =	vst v63  }
0x1f: {  	_ =	swait.ge [sflag:s17], $0x2000  }
0x20: {  	[sflag:s17] =	ssyncset.done $0x0  }
0x21: {  	[sflag:s17] =	ssyncadd.s32 $0xFFFFE000  }
0x22: {  	[spmem:s6] =	stream.linear.scatter [tilespmem:s16], [sflag:$0x3], $0x2000, $0x38;
	[tilespmem:$0x10800] =	vst v63  }
0x23: {  	_ =	swait.ge [sflag:s17], $0x2000  }
0x24: {  	[sflag:s17] =	ssyncset.done $0x0  }
0x25: {  	[sflag:s17] =	ssyncadd.s32 $0xFFFFE000  }
0x26: {  	[spmem:s7] =	stream.linear.scatter [tilespmem:s16], [sflag:$0x3], $0x2000, $0x38;
	[tilespmem:$0x10800] =	vst v63  }
0x27: {  	_ =	swait.ge [sflag:s17], $0x2000  }
0x28: {  	[sflag:s17] =	ssyncset.done $0x0  }
0x29: {  	[sflag:s17] =	ssyncadd.s32 $0xFFFFE000  }
0x2a: {  	[spmem:s8] =	stream.linear.scatter [tilespmem:s16], [sflag:$0x3], $0x2000, $0x38;
	[tilespmem:$0x10800] =	vst v63  }
0x2b: {  	_ =	swait.ge [sflag:s17], $0x2000  }
0x2c: {  	[sflag:s17] =	ssyncset.done $0x0  }
0x2d: {  	[sflag:s17] =	ssyncadd.s32 $0xFFFFE000  }
0x2e: {  	[spmem:s9] =	stream.linear.scatter [tilespmem:s16], [sflag:$0x3], $0x2000, $0x38;
	[tilespmem:$0x10800] =	vst v63  }
0x2f: {  	_ =	swait.ge [sflag:s17], $0x2000  }
0x30: {  	[sflag:s17] =	ssyncset.done $0x0  }
0x31: {  	[sflag:s17] =	ssyncadd.s32 $0xFFFFE000  }
0x32: {  	s31 =	simm.s32 $0x0;
	[bflag:$0x0] =	sbarrier.arrive $0xFFFF  }
0x33: {  	[tilespmem:s31], [sflag:$0x3] =	stream.linear.gather [hbm4b:s10+s31], $0x1400, $0x38;
	[tilespmem:$0x10800] =	vst v63  }
0x34: {  	_ =	swait.ge [sflag:s17], $0x1400  }
0x35: {  	[sflag:s17] =	ssyncset.done $0x0  }
0x36: {  	[sflag:s17] =	ssyncadd.s32 $0xFFFFEC00  }
0x37: {  	[tilespmem:s18], [sflag:$0x3] =	stream.linear.gather [hbm4b:s11+s31], $0x1400, $0x38;
	[tilespmem:$0x10800] =	vst v63  }
0x38: {  	_ =	swait.ge [sflag:s17], $0x1400  }
0x39: {  	[sflag:s17] =	ssyncset.done $0x0  }
0x3a: {  	[sflag:s17] =	ssyncadd.s32 $0xFFFFEC00  }
0x3b: {  	[tilespmem:s16], [sflag:$0x1] =	stream.indirect.gather [hbm4b:s4+s19], $0x40, s31, s19, $0xb8;
	[tilespmem:$0x10800] =	vst v63  }
0x3c: {  	_ =	swait.ge [sflag:s20], $0x2000  }
0x3d: {  	[sflag:s20] =	ssyncset.done $0x0  }
0x3e: {  	s28 =	simm.s32 $0x1400;
	[sflag:s20] =	ssyncadd.s32 $0xFFFFE000  }
0x3f: {  	[spmem:s2] =	stream.indirect.scatter.add.s32 [tilespmem:s16], [sflag:$0x1], $0x40, s28, s19, $0xb8;
	[tilespmem:$0x10800] =	vst v63  }
0x40: {  	s29 =	simm.s32 $0x80  }
0x41: {  	[tilespmem:s21], [sflag:$0x2] =	stream.indirect.gather [hbm4b:s4+s19], $0x40, s29, s19, $0xb8;
	[tilespmem:$0x10800] =	vst v63  }
0x42: {  	_ =	swait.ge [sflag:s20], $0x2000  }
0x43: {  	[sflag:s20] =	ssyncset.done $0x0  }
0x44: {  	[sflag:s20] =	ssyncadd.s32 $0xFFFFE000  }
0x45: {  	_ =	swait.ge [sflag:s22], $0x2000  }
0x46: {  	[sflag:s22] =	ssyncset.done $0x0  }
0x47: {  	s30 =	simm.s32 $0x1480;
	[sflag:s22] =	ssyncadd.s32 $0xFFFFE000  }
0x48: {  	[spmem:s2] =	stream.indirect.scatter.add.s32 [tilespmem:s21], [sflag:$0x2], $0x40, s30, s19, $0xb8;
	[tilespmem:$0x10800] =	vst v63  }
0x49: {  	s31 =	simm.s32 $0x100  }
0x4a: {  	[tilespmem:s16], [sflag:$0x1] =	stream.indirect.gather [hbm4b:s4+s19], $0x40, s31, s19, $0xb8;
	[tilespmem:$0x10800] =	vst v63  }
0x4b: {  	_ =	swait.ge [sflag:s22], $0x2000  }
0x4c: {  	s26 =	simm.s32 $0x400;
	[sflag:s22] =	ssyncset.done $0x0  }
.LBB2_4:
0x4d: {  	p0 =	sne.s32 s26, $0x4800  }
0x4e: {  	[sflag:s22] =	ssyncadd.s32 $0xFFFFE000;
	s28 =	smov.u32 s26;
	s26 =	sadd.s32 $0x400, s26  }
0x4f: {  	_ = 	snop  }
0x50: {  	_ =	swait.ge [sflag:s20], $0x2000  }
0x51: {  	s28 =	sshra.s32 s28, $0x2;
	[sflag:s20] =	ssyncset.done $0x0  }
0x52: {  	s29 =	sadd.s32 $0x1400, s28;
	[sflag:s20] =	ssyncadd.s32 $0xFFFFE000  }
0x53: {  	[spmem:s2] =	stream.indirect.scatter.add.s32 [tilespmem:s16], [sflag:$0x1], $0x40, s29, s19, $0xb8;
	[tilespmem:$0x10800] =	vst v63  }
0x54: {  	s29 =	sadd.s32 $0x80, s28  }
0x55: {  	[tilespmem:s21], [sflag:$0x2] =	stream.indirect.gather [hbm4b:s4+s19], $0x40, s29, s19, $0xb8;
	[tilespmem:$0x10800] =	vst v63  }
0x56: {  	_ =	swait.ge [sflag:s20], $0x2000  }
0x57: {  	[sflag:s20] =	ssyncset.done $0x0  }
0x58: {  	[sflag:s20] =	ssyncadd.s32 $0xFFFFE000  }
0x59: {  	_ =	swait.ge [sflag:s22], $0x2000  }
0x5a: {  	[sflag:s22] =	ssyncset.done $0x0  }
0x5b: {  	s29 =	sadd.s32 $0x1480, s28;
	[sflag:s22] =	ssyncadd.s32 $0xFFFFE000  }
0x5c: {  	[spmem:s2] =	stream.indirect.scatter.add.s32 [tilespmem:s21], [sflag:$0x2], $0x40, s29, s19, $0xb8;
	[tilespmem:$0x10800] =	vst v63  }
.Ltmp1:
0x5d: {  	_ = 	snop;
	(pc) =	sbr.rel @p0 .LBB2_4-.Ltmp1, $4  }
0x5e: {  	s28 =	sadd.s32 $0x100, s28  }
0x5f: {  	[tilespmem:s16], [sflag:$0x1] =	stream.indirect.gather [hbm4b:s4+s19], $0x40, s28, s19, $0xb8;
	[tilespmem:$0x10800] =	vst v63  }
0x60: {  	_ =	swait.ge [sflag:s22], $0x2000  }
0x61: {  	[sflag:s22] =	ssyncset.done $0x0  }
0x62: {  	[sflag:s22] =	ssyncadd.s32 $0xFFFFE000  }
0x63: {  	_ =	swait.ge [sflag:s20], $0x2000  }
0x64: {  	[sflag:s20] =	ssyncset.done $0x0  }
0x65: {  	[sflag:s20] =	ssyncadd.s32 $0xFFFFE000  }
0x66: {  	[spmem:s2] =	stream.indirect.scatter.add.s32 [tilespmem:s16], [sflag:$0x1], $0x40, s23, s19, $0xb8;
	[tilespmem:$0x10800] =	vst v63  }
0x67: {  	_ = 	snop  }
0x68: {  	[tilespmem:s21], [sflag:$0x2] =	stream.indirect.gather [hbm4b:s4+s19], $0x40, s24, s19, $0xb8;
	[tilespmem:$0x10800] =	vst v63  }
0x69: {  	_ =	swait.ge [sflag:s20], $0x2000  }
0x6a: {  	[sflag:s20] =	ssyncset.done $0x0  }
0x6b: {  	[sflag:s20] =	ssyncadd.s32 $0xFFFFE000  }
0x6c: {  	_ =	swait.ge [sflag:s22], $0x2000  }
0x6d: {  	[sflag:s22] =	ssyncset.done $0x0  }
0x6e: {  	[sflag:s22] =	ssyncadd.s32 $0xFFFFE000  }
0x6f: {  	[spmem:s2] =	stream.indirect.scatter.add.s32 [tilespmem:s21], [sflag:$0x2], $0x40, s25, s19, $0xb8;
	[tilespmem:$0x10800] =	vst v63  }
0x70: {  	_ =	swait.ge [sflag:s22], $0x2000  }
0x71: {  	[sflag:s22] =	ssyncset.done $0x0  }
0x72: {  	s26 =	simm.s32 $0x0;
	[sflag:s22] =	ssyncadd.s32 $0xFFFFE000  }
0x73: {  	[tilespmem:s26], [sflag:$0x3] =	stream.linear.gather [hbm4b:s12+s26], $0x1400, $0x38;
	[tilespmem:$0x10800] =	vst v63  }
0x74: {  	_ =	swait.ge [sflag:s17], $0x1400  }
0x75: {  	[sflag:s17] =	ssyncset.done $0x0  }
0x76: {  	[sflag:s17] =	ssyncadd.s32 $0xFFFFEC00  }
0x77: {  	[tilespmem:s18], [sflag:$0x3] =	stream.linear.gather [hbm4b:s13+s26], $0x1400, $0x38;
	[tilespmem:$0x10800] =	vst v63  }
0x78: {  	_ =	swait.ge [sflag:s17], $0x1400  }
0x79: {  	[sflag:s17] =	ssyncset.done $0x0  }
0x7a: {  	[sflag:s17] =	ssyncadd.s32 $0xFFFFEC00  }
0x7b: {  	[tilespmem:s16], [sflag:$0x1] =	stream.indirect.gather [hbm4b:s4+s19], $0x40, s26, s19, $0xb8;
	[tilespmem:$0x10800] =	vst v63  }
0x7c: {  	_ =	swait.ge [sflag:s20], $0x2000  }
0x7d: {  	[sflag:s20] =	ssyncset.done $0x0  }
0x7e: {  	s28 =	simm.s32 $0x1400;
	[sflag:s20] =	ssyncadd.s32 $0xFFFFE000  }
0x7f: {  	[spmem:s2] =	stream.indirect.scatter.add.s32 [tilespmem:s16], [sflag:$0x1], $0x40, s28, s19, $0xb8;
	[tilespmem:$0x10800] =	vst v63  }
0x80: {  	s29 =	simm.s32 $0x80  }
0x81: {  	[tilespmem:s21], [sflag:$0x2] =	stream.indirect.gather [hbm4b:s4+s19], $0x40, s29, s19, $0xb8;
	[tilespmem:$0x10800] =	vst v63  }
0x82: {  	_ =	swait.ge [sflag:s20], $0x2000  }
0x83: {  	[sflag:s20] =	ssyncset.done $0x0  }
0x84: {  	[sflag:s20] =	ssyncadd.s32 $0xFFFFE000  }
0x85: {  	_ =	swait.ge [sflag:s22], $0x2000  }
0x86: {  	[sflag:s22] =	ssyncset.done $0x0  }
0x87: {  	s30 =	simm.s32 $0x1480;
	[sflag:s22] =	ssyncadd.s32 $0xFFFFE000  }
0x88: {  	[spmem:s2] =	stream.indirect.scatter.add.s32 [tilespmem:s21], [sflag:$0x2], $0x40, s30, s19, $0xb8;
	[tilespmem:$0x10800] =	vst v63  }
0x89: {  	s31 =	simm.s32 $0x100  }
0x8a: {  	[tilespmem:s16], [sflag:$0x1] =	stream.indirect.gather [hbm4b:s4+s19], $0x40, s31, s19, $0xb8;
	[tilespmem:$0x10800] =	vst v63  }
0x8b: {  	_ =	swait.ge [sflag:s22], $0x2000  }
0x8c: {  	s26 =	simm.s32 $0x400;
	[sflag:s22] =	ssyncset.done $0x0  }
.LBB2_6:
0x8d: {  	p0 =	sne.s32 s26, $0x4800  }
0x8e: {  	[sflag:s22] =	ssyncadd.s32 $0xFFFFE000;
	s28 =	smov.u32 s26;
	s26 =	sadd.s32 $0x400, s26  }
0x8f: {  	_ = 	snop  }
0x90: {  	_ =	swait.ge [sflag:s20], $0x2000  }
0x91: {  	s28 =	sshra.s32 s28, $0x2;
	[sflag:s20] =	ssyncset.done $0x0  }
0x92: {  	s29 =	sadd.s32 $0x1400, s28;
	[sflag:s20] =	ssyncadd.s32 $0xFFFFE000  }
0x93: {  	[spmem:s2] =	stream.indirect.scatter.add.s32 [tilespmem:s16], [sflag:$0x1], $0x40, s29, s19, $0xb8;
	[tilespmem:$0x10800] =	vst v63  }
0x94: {  	s29 =	sadd.s32 $0x80, s28  }
0x95: {  	[tilespmem:s21], [sflag:$0x2] =	stream.indirect.gather [hbm4b:s4+s19], $0x40, s29, s19, $0xb8;
	[tilespmem:$0x10800] =	vst v63  }
0x96: {  	_ =	swait.ge [sflag:s20], $0x2000  }
0x97: {  	[sflag:s20] =	ssyncset.done $0x0  }
0x98: {  	[sflag:s20] =	ssyncadd.s32 $0xFFFFE000  }
0x99: {  	_ =	swait.ge [sflag:s22], $0x2000  }
0x9a: {  	[sflag:s22] =	ssyncset.done $0x0  }
0x9b: {  	s29 =	sadd.s32 $0x1480, s28;
	[sflag:s22] =	ssyncadd.s32 $0xFFFFE000  }
0x9c: {  	[spmem:s2] =	stream.indirect.scatter.add.s32 [tilespmem:s21], [sflag:$0x2], $0x40, s29, s19, $0xb8;
	[tilespmem:$0x10800] =	vst v63  }
.Ltmp2:
0x9d: {  	_ = 	snop;
	(pc) =	sbr.rel @p0 .LBB2_6-.Ltmp2, $4  }
0x9e: {  	s28 =	sadd.s32 $0x100, s28  }
0x9f: {  	[tilespmem:s16], [sflag:$0x1] =	stream.indirect.gather [hbm4b:s4+s19], $0x40, s28, s19, $0xb8;
	[tilespmem:$0x10800] =	vst v63  }
0xa0: {  	_ =	swait.ge [sflag:s22], $0x2000  }
0xa1: {  	[sflag:s22] =	ssyncset.done $0x0  }
0xa2: {  	[sflag:s22] =	ssyncadd.s32 $0xFFFFE000  }
0xa3: {  	_ =	swait.ge [sflag:s20], $0x2000  }
0xa4: {  	[sflag:s20] =	ssyncset.done $0x0  }
0xa5: {  	[sflag:s20] =	ssyncadd.s32 $0xFFFFE000  }
0xa6: {  	[spmem:s2] =	stream.indirect.scatter.add.s32 [tilespmem:s16], [sflag:$0x1], $0x40, s23, s19, $0xb8;
	[tilespmem:$0x10800] =	vst v63  }
0xa7: {  	_ = 	snop  }
0xa8: {  	[tilespmem:s21], [sflag:$0x2] =	stream.indirect.gather [hbm4b:s4+s19], $0x40, s24, s19, $0xb8;
	[tilespmem:$0x10800] =	vst v63  }
0xa9: {  	_ =	swait.ge [sflag:s20], $0x2000  }
0xaa: {  	[sflag:s20] =	ssyncset.done $0x0  }
0xab: {  	[sflag:s20] =	ssyncadd.s32 $0xFFFFE000  }
0xac: {  	_ =	swait.ge [sflag:s22], $0x2000  }
0xad: {  	[sflag:s22] =	ssyncset.done $0x0  }
0xae: {  	[sflag:s22] =	ssyncadd.s32 $0xFFFFE000  }
0xaf: {  	[spmem:s2] =	stream.indirect.scatter.add.s32 [tilespmem:s21], [sflag:$0x2], $0x40, s25, s19, $0xb8;
	[tilespmem:$0x10800] =	vst v63  }
0xb0: {  	_ =	swait.ge [sflag:s22], $0x2000  }
0xb1: {  	s26 =	sshll.u32 s1, $0x6;
	s3 =	sadd.s32 $0x1, s3;
	[sflag:s22] =	ssyncset.done $0x0  }
0xb2: {  	s28 =	sshrl.u32 s5, $0x3;
	p0 =	sne.s32 s3, s15;
	[sflag:s22] =	ssyncadd.s32 $0xFFFFE000  }
.Ltmp3:
0xb3: {  	s26 =	sor.u32 $0x1C03, s26;
	[bflag:$0x0] =	sbarrier.arrive $0xFFFF;
	(pc) =	sbr.rel @p0 .LBB2_1-.Ltmp3, $4  }
0xb4: {  	[hbm:s14], [sflag:s26] =	dma.local [spmem:s28], $0x1400  }
0xb5: {  	_ =	swait.ge [sflag:s17], $0x1400  }
0xb6: {  	[sflag:s17] =	ssyncset.done $0x0  }
0xb7: {  	[sflag:s17] =	ssyncadd.s32 $0xFFFFEC00  }
0xb8: {  	_ =	sfence.sel $0x180000  }
0xb9: {  	[bflag:$0x0] =	sbarrier.arrive $0xFFFF  }
0xba: {  	p0 =	sne.s32 s1, $0x0;
	_ =	strace $0x90000047  }
0xbb: {  	s0 =	sadd.s32 @!p0 $0x100000, s0;
	[bflag:$0x2] =	sbarrier.arrive $0xFFFF  }
0xbc: {  	[sflag:s0] =	ssyncadd.tile.s32 @!p0 $0x1;
	_ =	shalt  }
.Lfunc_end2:
_tile_overlayer_lowered:
.L_overlay_start_2:
0xbd: {  	(tag) =	ssettag $0x2  }
0xbe: {  	s0 =	rddreg [dreg:$0x0];
	s2 =	stileid.u32  }
0xbf: {  	s1 =	rddreg [dreg:$0x1];
	p0 =	sne.s32 s2, $0x0  }
0xc0: {  	s3 =	rddreg [dreg:$0x2];
	[bflag:$0x3] =	sbarrier.arrive $0xFFFF;
	s2 =	simm.s32 @!p0 $0x1C03  }
0xc1: {  	[timem:s3], [sflag:s2] =	dma.local @!p0 [hbm:s0], s1  }
0xc2: {  	s0 =	simm.s32 @!p0 $0x3  }
0xc3: {  	_ =	swait.ge @!p0 [sflag:s0], s1  }
0xc4: {  	s1 =	ssub.s32 @!p0 $0x0, s1;
	[sflag:s0] =	ssyncset.done @!p0 $0x0  }
0xc5: {  	[sflag:s0] =	ssyncadd.s32 @!p0 s1  }
0xc6: {  	[bflag:$0x3] =	sbarrier.arrive $0xFFFF  }
0xc7: {  	_ =	shalt  }

</sc_bundles>
